<compile_context>
chip_gen: v7x
topology: tpu7x:2x2x1
jax: 0.10.2.dev20260603
libtpu: 0.0.44.dev20260713+nightly
codegen_flags: <defaults>
</compile_context>

<pallas_src>
import math

import jax
import jax.numpy as jnp
from jax import lax
from jax.experimental import pallas as pl
from jax.experimental.pallas import tpu as pltpu
from jax.experimental.pallas import tpu_sc as plsc

VOCAB = 100000
EMBED_DIM = 128
BATCH = 4
SEQ_LEN = 4096
TOTAL = BATCH * SEQ_LEN
SCALE = math.sqrt(EMBED_DIM)

_info = plsc.get_sparse_core_info()
NC, NS = _info.num_cores, _info.num_subcores
NW = NC * NS
CHUNK = SEQ_LEN // NW
LANES = EMBED_DIM // 16


def _body(x_hbm, tok_hbm, pos_hbm, out_hbm,
          idx_v, pos_v, tok0_v, tok1_v, tok2_v, tok3_v,
          isem, psem, gsem0, gsem1, gsem2, gsem3, osem0, osem1, osem2, osem3):
    wid = lax.axis_index("s") * NC + lax.axis_index("c")
    tok_bufs = (tok0_v, tok1_v, tok2_v, tok3_v)
    gsems = (gsem0, gsem1, gsem2, gsem3)
    osems = (osem0, osem1, osem2, osem3)

    pcp = pltpu.async_copy(pos_hbm.at[pl.ds(wid * CHUNK, CHUNK)], pos_v, psem)
    icp = pltpu.async_copy(x_hbm.at[:, pl.ds(wid * CHUNK, CHUNK)], idx_v, isem)
    icp.wait()

    gcps = [pltpu.async_copy(tok_hbm.at[idx_v.at[c]], tok_bufs[c], gsems[c])
            for c in range(BATCH)]

    pcp.wait()
    ocps = []
    for c in range(BATCH):
        gcps[c].wait()
        tok_v = tok_bufs[c]

        def row_body(r, _):
            for cc in range(LANES):
                sl = pl.ds(cc * 16, 16)
                tok_v[r, sl] = tok_v[r, sl] * SCALE + pos_v[r, sl]
            return 0

        lax.fori_loop(0, CHUNK, row_body, 0)
        ocps.append(pltpu.async_copy(
            tok_v, out_hbm.at[pl.ds(c * SEQ_LEN + wid * CHUNK, CHUNK)],
            osems[c]))
    for ocp in ocps:
        ocp.wait()


@jax.jit
def kernel(x, token_table, pos_table):
    mesh = plsc.VectorSubcoreMesh(core_axis_name="c", subcore_axis_name="s")
    run = pl.kernel(
        _body,
        out_type=jax.ShapeDtypeStruct((TOTAL, EMBED_DIM), jnp.float32),
        mesh=mesh,
        scratch_types=[
            pltpu.VMEM((BATCH, CHUNK), jnp.int32),
            pltpu.VMEM((CHUNK, EMBED_DIM), jnp.float32),
            pltpu.VMEM((CHUNK, EMBED_DIM), jnp.float32),
            pltpu.VMEM((CHUNK, EMBED_DIM), jnp.float32),
            pltpu.VMEM((CHUNK, EMBED_DIM), jnp.float32),
            pltpu.VMEM((CHUNK, EMBED_DIM), jnp.float32),
        ] + [pltpu.SemaphoreType.DMA] * 10,
    )
    out = run(x.astype(jnp.int32), token_table, pos_table)
    return out.reshape(BATCH, SEQ_LEN, EMBED_DIM)

# --- scband reference (transcript-rebuilt; emitter-appended) ---
"""Pipeline reference for scband-transformer-embedding-6983616824144 (READ-ONLY COPY).

The authoritative reference and input builder live on the scoring server;
editing this copy changes nothing except your own understanding.
"""

import jax, jax.numpy as jnp
import numpy as np
import math

VOCAB = 100000
EMBED_DIM = 128
MAX_SEQ_LEN = 5000
BATCH = 4
SEQ_LEN = 4096

def setup_inputs(seed: int = 0) -> dict:
    key = jax.random.key(seed)
    k1, k2, k3 = jax.random.split(key, 3)
    x = jax.random.randint(k1, (BATCH, SEQ_LEN), 0, VOCAB, dtype=jnp.int64 if jax.config.jax_enable_x64 else jnp.int32)
    token_table = jax.random.normal(k2, (VOCAB, EMBED_DIM), dtype=jnp.float32)
    pos_table = jax.random.normal(k3, (MAX_SEQ_LEN, EMBED_DIM), dtype=jnp.float32)
    return {"x": x, "token_table": token_table, "pos_table": pos_table}

def reference(x, token_table, pos_table):
    # TokenEmbedding: table lookup scaled by sqrt(embed_dim)
    tok = jnp.take(token_table, x, axis=0) * math.sqrt(EMBED_DIM)  # (B, S, D)
    # LearnablePositionalEncoding: position embedding lookup for [0, seq_len)
    seq_len = x.shape[1]
    positions = jnp.arange(seq_len)  # (S,)
    pos = jnp.take(pos_table, positions, axis=0)[None, :, :]  # (1, S, D)
    out = tok + pos
    # dropout p=0.0 -> identity (eval-mode equivalent)
    return out

if __name__ == "__main__":
    import jax
    _d = setup_inputs()
    print(jax.jit(kernel)(*tuple(_d.values())))

</pallas_src>

<mosaic_0001>
#map = affine_map<(d0, d1) -> (0, 0)>
module attributes {stable_mosaic.version = 14 : i64} {
  func.func @_body(%arg0: i32, %arg1: i32, %arg2: memref<4x4096xi32, #tpu.memory_space<hbm>>, %arg3: memref<100000x128xf32, #tpu.memory_space<hbm>>, %arg4: memref<5000x128xf32, #tpu.memory_space<hbm>>, %arg5: memref<16384x128xf32, #tpu.memory_space<hbm>>, %arg6: memref<4x128xi32, #tpu.memory_space<vmem>>, %arg7: memref<128x128xf32, #tpu.memory_space<vmem>>, %arg8: memref<128x128xf32, #tpu.memory_space<vmem>>, %arg9: memref<128x128xf32, #tpu.memory_space<vmem>>, %arg10: memref<128x128xf32, #tpu.memory_space<vmem>>, %arg11: memref<128x128xf32, #tpu.memory_space<vmem>>, %arg12: memref<!tpu.dma_semaphore, #tpu.memory_space<semaphore_mem>>, %arg13: memref<!tpu.dma_semaphore, #tpu.memory_space<semaphore_mem>>, %arg14: memref<!tpu.dma_semaphore, #tpu.memory_space<semaphore_mem>>, %arg15: memref<!tpu.dma_semaphore, #tpu.memory_space<semaphore_mem>>, %arg16: memref<!tpu.dma_semaphore, #tpu.memory_space<semaphore_mem>>, %arg17: memref<!tpu.dma_semaphore, #tpu.memory_space<semaphore_mem>>, %arg18: memref<!tpu.dma_semaphore, #tpu.memory_space<semaphore_mem>>, %arg19: memref<!tpu.dma_semaphore, #tpu.memory_space<semaphore_mem>>, %arg20: memref<!tpu.dma_semaphore, #tpu.memory_space<semaphore_mem>>, %arg21: memref<!tpu.dma_semaphore, #tpu.memory_space<semaphore_mem>>) attributes {dimension_semantics = [#tpu.dimension_semantics<core_parallel>, #tpu.dimension_semantics<subcore_parallel>], iteration_bounds = array<i64: 2, 16>, scalar_prefetch = 0 : i64, scratch_operands = 16 : i64, tpu.core_type = #tpu.core_type<sc_vector_subcore>, window_params = [{transform_indices = #map}, {transform_indices = #map}, {transform_indices = #map}, {transform_indices = #map}]} {
    %mul3A = arith.constant 2 : i32
    %mul3A_0 = arith.muli %arg1, %mul3A : i32
    %add3A = arith.addi %mul3A_0, %arg0 : i32
    %mul3A_1 = arith.constant 128 : i32
    %mul3A_2 = arith.muli %add3A, %mul3A_1 : i32
    %dma_start3A = arith.constant 0 : i32
    %dma_start3A_3 = tpu.memref_slice %arg4[%mul3A_2, %dma_start3A] : memref<5000x128xf32, #tpu.memory_space<hbm>> -> memref<128x128xf32, #tpu.memory_space<hbm>>
    %dma_start3A_4 = arith.constant 0 : i32
    %dma_start3A_5 = tpu.memref_slice %arg4[%mul3A_2, %dma_start3A_4] : memref<5000x128xf32, #tpu.memory_space<hbm>> -> memref<128x128xf32, #tpu.memory_space<hbm>>
    tpu.enqueue_dma source(%dma_start3A_5 : memref<128x128xf32, #tpu.memory_space<hbm>>) target(%arg7 : memref<128x128xf32, #tpu.memory_space<vmem>>) target_semaphore(%arg13 : memref<!tpu.dma_semaphore, #tpu.memory_space<semaphore_mem>>)
    %mul3A_6 = arith.constant 128 : i32
    %mul3A_7 = arith.muli %add3A, %mul3A_6 : i32
    %dma_start3A_8 = arith.constant 0 : i32
    %dma_start3A_9 = tpu.memref_slice %arg2[%dma_start3A_8, %mul3A_7] : memref<4x4096xi32, #tpu.memory_space<hbm>> -> memref<4x128xi32, #tpu.memory_space<hbm>>
    %dma_start3A_10 = arith.constant 0 : i32
    %dma_start3A_11 = tpu.memref_slice %arg2[%dma_start3A_10, %mul3A_7] : memref<4x4096xi32, #tpu.memory_space<hbm>> -> memref<4x128xi32, #tpu.memory_space<hbm>>
    tpu.enqueue_dma source(%dma_start3A_11 : memref<4x128xi32, #tpu.memory_space<hbm>>) target(%arg6 : memref<4x128xi32, #tpu.memory_space<vmem>>) target_semaphore(%arg12 : memref<!tpu.dma_semaphore, #tpu.memory_space<semaphore_mem>>)
    %dma_wait3A = arith.constant 0 : i32
    %dma_wait3A_12 = tpu.memref_slice %arg2[%dma_wait3A, %mul3A_7] : memref<4x4096xi32, #tpu.memory_space<hbm>> -> memref<4x128xi32, #tpu.memory_space<hbm>>
    %dma_wait3A_13 = arith.constant 0 : i32
    %dma_wait3A_14 = tpu.memref_slice %arg2[%dma_wait3A_13, %mul3A_7] : memref<4x4096xi32, #tpu.memory_space<hbm>> -> memref<4x128xi32, #tpu.memory_space<hbm>>
    tpu.wait_dma2 semaphore(%arg12 : memref<!tpu.dma_semaphore, #tpu.memory_space<semaphore_mem>>) src(%dma_wait3A_14 : memref<4x128xi32, #tpu.memory_space<hbm>>) dst(%arg6 : memref<4x128xi32, #tpu.memory_space<vmem>>)
    %dma_start3A_15 = arith.constant 0 : i32
    %dma_start3A_16 = arith.constant 0 : i32
    %dma_start3A_17 = tpu.memref_slice %arg6[%dma_start3A_15, %dma_start3A_16] : memref<4x128xi32, #tpu.memory_space<vmem>> -> memref<1x128xi32, #tpu.memory_space<vmem>>
    %dma_start3A_18 = tpu.memref_squeeze %dma_start3A_17 : memref<1x128xi32, #tpu.memory_space<vmem>> -> memref<128xi32, #tpu.memory_space<vmem>>
    %dma_start3A_19 = arith.constant 0 : i32
    %dma_start3A_20 = arith.constant 0 : i32
    %dma_start3A_21 = tpu.memref_slice %arg3[%dma_start3A_19, %dma_start3A_20] : memref<100000x128xf32, #tpu.memory_space<hbm>> -> memref<100000x128xf32, #tpu.memory_space<hbm>>
    tpu.enqueue_indirect_dma source(%dma_start3A_21 : memref<100000x128xf32, #tpu.memory_space<hbm>>) target(%arg8 : memref<128x128xf32, #tpu.memory_space<vmem>>) offsets(%dma_start3A_18 : memref<128xi32, #tpu.memory_space<vmem>>) semaphore(%arg14 : memref<!tpu.dma_semaphore, #tpu.memory_space<semaphore_mem>>)
    %dma_start3A_22 = arith.constant 1 : i32
    %dma_start3A_23 = arith.constant 0 : i32
    %dma_start3A_24 = tpu.memref_slice %arg6[%dma_start3A_22, %dma_start3A_23] : memref<4x128xi32, #tpu.memory_space<vmem>> -> memref<1x128xi32, #tpu.memory_space<vmem>>
    %dma_start3A_25 = tpu.memref_squeeze %dma_start3A_24 : memref<1x128xi32, #tpu.memory_space<vmem>> -> memref<128xi32, #tpu.memory_space<vmem>>
    %dma_start3A_26 = arith.constant 0 : i32
    %dma_start3A_27 = arith.constant 0 : i32
    %dma_start3A_28 = tpu.memref_slice %arg3[%dma_start3A_26, %dma_start3A_27] : memref<100000x128xf32, #tpu.memory_space<hbm>> -> memref<100000x128xf32, #tpu.memory_space<hbm>>
    tpu.enqueue_indirect_dma source(%dma_start3A_28 : memref<100000x128xf32, #tpu.memory_space<hbm>>) target(%arg9 : memref<128x128xf32, #tpu.memory_space<vmem>>) offsets(%dma_start3A_25 : memref<128xi32, #tpu.memory_space<vmem>>) semaphore(%arg15 : memref<!tpu.dma_semaphore, #tpu.memory_space<semaphore_mem>>)
    %dma_start3A_29 = arith.constant 2 : i32
    %dma_start3A_30 = arith.constant 0 : i32
    %dma_start3A_31 = tpu.memref_slice %arg6[%dma_start3A_29, %dma_start3A_30] : memref<4x128xi32, #tpu.memory_space<vmem>> -> memref<1x128xi32, #tpu.memory_space<vmem>>
    %dma_start3A_32 = tpu.memref_squeeze %dma_start3A_31 : memref<1x128xi32, #tpu.memory_space<vmem>> -> memref<128xi32, #tpu.memory_space<vmem>>
    %dma_start3A_33 = arith.constant 0 : i32
    %dma_start3A_34 = arith.constant 0 : i32
    %dma_start3A_35 = tpu.memref_slice %arg3[%dma_start3A_33, %dma_start3A_34] : memref<100000x128xf32, #tpu.memory_space<hbm>> -> memref<100000x128xf32, #tpu.memory_space<hbm>>
    tpu.enqueue_indirect_dma source(%dma_start3A_35 : memref<100000x128xf32, #tpu.memory_space<hbm>>) target(%arg10 : memref<128x128xf32, #tpu.memory_space<vmem>>) offsets(%dma_start3A_32 : memref<128xi32, #tpu.memory_space<vmem>>) semaphore(%arg16 : memref<!tpu.dma_semaphore, #tpu.memory_space<semaphore_mem>>)
    %dma_start3A_36 = arith.constant 3 : i32
    %dma_start3A_37 = arith.constant 0 : i32
    %dma_start3A_38 = tpu.memref_slice %arg6[%dma_start3A_36, %dma_start3A_37] : memref<4x128xi32, #tpu.memory_space<vmem>> -> memref<1x128xi32, #tpu.memory_space<vmem>>
    %dma_start3A_39 = tpu.memref_squeeze %dma_start3A_38 : memref<1x128xi32, #tpu.memory_space<vmem>> -> memref<128xi32, #tpu.memory_space<vmem>>
    %dma_start3A_40 = arith.constant 0 : i32
    %dma_start3A_41 = arith.constant 0 : i32
    %dma_start3A_42 = tpu.memref_slice %arg3[%dma_start3A_40, %dma_start3A_41] : memref<100000x128xf32, #tpu.memory_space<hbm>> -> memref<100000x128xf32, #tpu.memory_space<hbm>>
    tpu.enqueue_indirect_dma source(%dma_start3A_42 : memref<100000x128xf32, #tpu.memory_space<hbm>>) target(%arg11 : memref<128x128xf32, #tpu.memory_space<vmem>>) offsets(%dma_start3A_39 : memref<128xi32, #tpu.memory_space<vmem>>) semaphore(%arg17 : memref<!tpu.dma_semaphore, #tpu.memory_space<semaphore_mem>>)
    %dma_wait3A_43 = arith.constant 0 : i32
    %dma_wait3A_44 = tpu.memref_slice %arg4[%mul3A_2, %dma_wait3A_43] : memref<5000x128xf32, #tpu.memory_space<hbm>> -> memref<128x128xf32, #tpu.memory_space<hbm>>
    %dma_wait3A_45 = arith.constant 0 : i32
    %dma_wait3A_46 = tpu.memref_slice %arg4[%mul3A_2, %dma_wait3A_45] : memref<5000x128xf32, #tpu.memory_space<hbm>> -> memref<128x128xf32, #tpu.memory_space<hbm>>
    tpu.wait_dma2 semaphore(%arg13 : memref<!tpu.dma_semaphore, #tpu.memory_space<semaphore_mem>>) src(%dma_wait3A_46 : memref<128x128xf32, #tpu.memory_space<hbm>>) dst(%arg7 : memref<128x128xf32, #tpu.memory_space<vmem>>)
    %dma_wait3A_47 = arith.constant 0 : i32
    %dma_wait3A_48 = arith.constant 0 : i32
    %dma_wait3A_49 = tpu.memref_slice %arg6[%dma_wait3A_47, %dma_wait3A_48] : memref<4x128xi32, #tpu.memory_space<vmem>> -> memref<1x128xi32, #tpu.memory_space<vmem>>
    %dma_wait3A_50 = tpu.memref_squeeze %dma_wait3A_49 : memref<1x128xi32, #tpu.memory_space<vmem>> -> memref<128xi32, #tpu.memory_space<vmem>>
    %dma_wait3A_51 = arith.constant 0 : i32
    %dma_wait3A_52 = arith.constant 0 : i32
    %dma_wait3A_53 = tpu.memref_slice %arg3[%dma_wait3A_51, %dma_wait3A_52] : memref<100000x128xf32, #tpu.memory_space<hbm>> -> memref<100000x128xf32, #tpu.memory_space<hbm>>
    tpu.wait_indirect_dma semaphore(%arg14 : memref<!tpu.dma_semaphore, #tpu.memory_space<semaphore_mem>>) src(%dma_wait3A_53 : memref<100000x128xf32, #tpu.memory_space<hbm>>) dst(%arg8 : memref<128x128xf32, #tpu.memory_space<vmem>>)
    %scan3A = arith.constant 0 : i32
    %scan3A_54 = arith.constant 0 : i32
    %scan3A_55 = arith.constant 128 : i32
    %scan3A_56 = arith.addi %scan3A_54, %scan3A_55 : i32
    %scan3A_57 = arith.constant 1 : i32
    %scan3A_58 = scf.for %scan3A_150 = %scan3A_54 to %scan3A_56 step %scan3A_57 iter_args(%scan3A_151 = %scan3A) -> (i32)  : i32 {
      %get3A = arith.index_cast %scan3A_150 : i32 to index
      %get3A_152 = arith.constant 0 : index
      %get3A_153 = tpu.vector_load %arg8[%get3A, %get3A_152] {strides = array<i32>} : memref<128x128xf32, #tpu.memory_space<vmem>>, vector<1x16xf32>,
      %get3A_154 = vector.shape_cast %get3A_153 : vector<1x16xf32> to vector<16xf32>
      %mul3A_155 = arith.constant 11.3137083 : f32
      %mul3A_156 = vector.broadcast %mul3A_155 : f32 to vector<16xf32>
      %mul3A_157 = arith.mulf %get3A_154, %mul3A_156 : vector<16xf32>
      %get3A_158 = arith.index_cast %scan3A_150 : i32 to index
      %get3A_159 = arith.constant 0 : index
      %get3A_160 = tpu.vector_load %arg7[%get3A_158, %get3A_159] {strides = array<i32>} : memref<128x128xf32, #tpu.memory_space<vmem>>, vector<1x16xf32>,
      %get3A_161 = vector.shape_cast %get3A_160 : vector<1x16xf32> to vector<16xf32>
      %add3A_162 = arith.addf %mul3A_157, %get3A_161 : vector<16xf32>
      %swap3A = arith.index_cast %scan3A_150 : i32 to index
      %swap3A_163 = arith.constant 0 : index
      %swap3A_164 = tpu.vector_load %arg8[%swap3A, %swap3A_163] {strides = array<i32>} : memref<128x128xf32, #tpu.memory_space<vmem>>, vector<1x16xf32>,
      %swap3A_165 = vector.shape_cast %swap3A_164 : vector<1x16xf32> to vector<16xf32>
      %swap3A_166 = vector.shape_cast %add3A_162 : vector<16xf32> to vector<1x16xf32>
      tpu.vector_store %arg8[%swap3A, %swap3A_163], %swap3A_166 {strides = array<i32>} : memref<128x128xf32, #tpu.memory_space<vmem>>, vector<1x16xf32>,
      %get3A_167 = arith.index_cast %scan3A_150 : i32 to index
      %get3A_168 = arith.constant 16 : index
      %get3A_169 = tpu.vector_load %arg8[%get3A_167, %get3A_168] {strides = array<i32>} : memref<128x128xf32, #tpu.memory_space<vmem>>, vector<1x16xf32>,
      %get3A_170 = vector.shape_cast %get3A_169 : vector<1x16xf32> to vector<16xf32>
      %mul3A_171 = arith.constant 11.3137083 : f32
      %mul3A_172 = vector.broadcast %mul3A_171 : f32 to vector<16xf32>
      %mul3A_173 = arith.mulf %get3A_170, %mul3A_172 : vector<16xf32>
      %get3A_174 = arith.index_cast %scan3A_150 : i32 to index
      %get3A_175 = arith.constant 16 : index
      %get3A_176 = tpu.vector_load %arg7[%get3A_174, %get3A_175] {strides = array<i32>} : memref<128x128xf32, #tpu.memory_space<vmem>>, vector<1x16xf32>,
      %get3A_177 = vector.shape_cast %get3A_176 : vector<1x16xf32> to vector<16xf32>
      %add3A_178 = arith.addf %mul3A_173, %get3A_177 : vector<16xf32>
      %swap3A_179 = arith.index_cast %scan3A_150 : i32 to index
      %swap3A_180 = arith.constant 16 : index
      %swap3A_181 = tpu.vector_load %arg8[%swap3A_179, %swap3A_180] {strides = array<i32>} : memref<128x128xf32, #tpu.memory_space<vmem>>, vector<1x16xf32>,
      %swap3A_182 = vector.shape_cast %swap3A_181 : vector<1x16xf32> to vector<16xf32>
      %swap3A_183 = vector.shape_cast %add3A_178 : vector<16xf32> to vector<1x16xf32>
      tpu.vector_store %arg8[%swap3A_179, %swap3A_180], %swap3A_183 {strides = array<i32>} : memref<128x128xf32, #tpu.memory_space<vmem>>, vector<1x16xf32>,
      %get3A_184 = arith.index_cast %scan3A_150 : i32 to index
      %get3A_185 = arith.constant 32 : index
      %get3A_186 = tpu.vector_load %arg8[%get3A_184, %get3A_185] {strides = array<i32>} : memref<128x128xf32, #tpu.memory_space<vmem>>, vector<1x16xf32>,
      %get3A_187 = vector.shape_cast %get3A_186 : vector<1x16xf32> to vector<16xf32>
      %mul3A_188 = arith.constant 11.3137083 : f32
      %mul3A_189 = vector.broadcast %mul3A_188 : f32 to vector<16xf32>
      %mul3A_190 = arith.mulf %get3A_187, %mul3A_189 : vector<16xf32>
      %get3A_191 = arith.index_cast %scan3A_150 : i32 to index
      %get3A_192 = arith.constant 32 : index
      %get3A_193 = tpu.vector_load %arg7[%get3A_191, %get3A_192] {strides = array<i32>} : memref<128x128xf32, #tpu.memory_space<vmem>>, vector<1x16xf32>,
      %get3A_194 = vector.shape_cast %get3A_193 : vector<1x16xf32> to vector<16xf32>
      %add3A_195 = arith.addf %mul3A_190, %get3A_194 : vector<16xf32>
      %swap3A_196 = arith.index_cast %scan3A_150 : i32 to index
      %swap3A_197 = arith.constant 32 : index
      %swap3A_198 = tpu.vector_load %arg8[%swap3A_196, %swap3A_197] {strides = array<i32>} : memref<128x128xf32, #tpu.memory_space<vmem>>, vector<1x16xf32>,
      %swap3A_199 = vector.shape_cast %swap3A_198 : vector<1x16xf32> to vector<16xf32>
      %swap3A_200 = vector.shape_cast %add3A_195 : vector<16xf32> to vector<1x16xf32>
      tpu.vector_store %arg8[%swap3A_196, %swap3A_197], %swap3A_200 {strides = array<i32>} : memref<128x128xf32, #tpu.memory_space<vmem>>, vector<1x16xf32>,
      %get3A_201 = arith.index_cast %scan3A_150 : i32 to index
      %get3A_202 = arith.constant 48 : index
      %get3A_203 = tpu.vector_load %arg8[%get3A_201, %get3A_202] {strides = array<i32>} : memref<128x128xf32, #tpu.memory_space<vmem>>, vector<1x16xf32>,
      %get3A_204 = vector.shape_cast %get3A_203 : vector<1x16xf32> to vector<16xf32>
      %mul3A_205 = arith.constant 11.3137083 : f32
      %mul3A_206 = vector.broadcast %mul3A_205 : f32 to vector<16xf32>
      %mul3A_207 = arith.mulf %get3A_204, %mul3A_206 : vector<16xf32>
      %get3A_208 = arith.index_cast %scan3A_150 : i32 to index
      %get3A_209 = arith.constant 48 : index
      %get3A_210 = tpu.vector_load %arg7[%get3A_208, %get3A_209] {strides = array<i32>} : memref<128x128xf32, #tpu.memory_space<vmem>>, vector<1x16xf32>,
      %get3A_211 = vector.shape_cast %get3A_210 : vector<1x16xf32> to vector<16xf32>
      %add3A_212 = arith.addf %mul3A_207, %get3A_211 : vector<16xf32>
      %swap3A_213 = arith.index_cast %scan3A_150 : i32 to index
      %swap3A_214 = arith.constant 48 : index
      %swap3A_215 = tpu.vector_load %arg8[%swap3A_213, %swap3A_214] {strides = array<i32>} : memref<128x128xf32, #tpu.memory_space<vmem>>, vector<1x16xf32>,
      %swap3A_216 = vector.shape_cast %swap3A_215 : vector<1x16xf32> to vector<16xf32>
      %swap3A_217 = vector.shape_cast %add3A_212 : vector<16xf32> to vector<1x16xf32>
      tpu.vector_store %arg8[%swap3A_213, %swap3A_214], %swap3A_217 {strides = array<i32>} : memref<128x128xf32, #tpu.memory_space<vmem>>, vector<1x16xf32>,
      %get3A_218 = arith.index_cast %scan3A_150 : i32 to index
      %get3A_219 = arith.constant 64 : index
      %get3A_220 = tpu.vector_load %arg8[%get3A_218, %get3A_219] {strides = array<i32>} : memref<128x128xf32, #tpu.memory_space<vmem>>, vector<1x16xf32>,
      %get3A_221 = vector.shape_cast %get3A_220 : vector<1x16xf32> to vector<16xf32>
      %mul3A_222 = arith.constant 11.3137083 : f32
      %mul3A_223 = vector.broadcast %mul3A_222 : f32 to vector<16xf32>
      %mul3A_224 = arith.mulf %get3A_221, %mul3A_223 : vector<16xf32>
      %get3A_225 = arith.index_cast %scan3A_150 : i32 to index
      %get3A_226 = arith.constant 64 : index
      %get3A_227 = tpu.vector_load %arg7[%get3A_225, %get3A_226] {strides = array<i32>} : memref<128x128xf32, #tpu.memory_space<vmem>>, vector<1x16xf32>,
      %get3A_228 = vector.shape_cast %get3A_227 : vector<1x16xf32> to vector<16xf32>
      %add3A_229 = arith.addf %mul3A_224, %get3A_228 : vector<16xf32>
      %swap3A_230 = arith.index_cast %scan3A_150 : i32 to index
      %swap3A_231 = arith.constant 64 : index
      %swap3A_232 = tpu.vector_load %arg8[%swap3A_230, %swap3A_231] {strides = array<i32>} : memref<128x128xf32, #tpu.memory_space<vmem>>, vector<1x16xf32>,
      %swap3A_233 = vector.shape_cast %swap3A_232 : vector<1x16xf32> to vector<16xf32>
      %swap3A_234 = vector.shape_cast %add3A_229 : vector<16xf32> to vector<1x16xf32>
      tpu.vector_store %arg8[%swap3A_230, %swap3A_231], %swap3A_234 {strides = array<i32>} : memref<128x128xf32, #tpu.memory_space<vmem>>, vector<1x16xf32>,
      %get3A_235 = arith.index_cast %scan3A_150 : i32 to index
      %get3A_236 = arith.constant 80 : index
      %get3A_237 = tpu.vector_load %arg8[%get3A_235, %get3A_236] {strides = array<i32>} : memref<128x128xf32, #tpu.memory_space<vmem>>, vector<1x16xf32>,
      %get3A_238 = vector.shape_cast %get3A_237 : vector<1x16xf32> to vector<16xf32>
      %mul3A_239 = arith.constant 11.3137083 : f32
      %mul3A_240 = vector.broadcast %mul3A_239 : f32 to vector<16xf32>
      %mul3A_241 = arith.mulf %get3A_238, %mul3A_240 : vector<16xf32>
      %get3A_242 = arith.index_cast %scan3A_150 : i32 to index
      %get3A_243 = arith.constant 80 : index
      %get3A_244 = tpu.vector_load %arg7[%get3A_242, %get3A_243] {strides = array<i32>} : memref<128x128xf32, #tpu.memory_space<vmem>>, vector<1x16xf32>,
      %get3A_245 = vector.shape_cast %get3A_244 : vector<1x16xf32> to vector<16xf32>
      %add3A_246 = arith.addf %mul3A_241, %get3A_245 : vector<16xf32>
      %swap3A_247 = arith.index_cast %scan3A_150 : i32 to index
      %swap3A_248 = arith.constant 80 : index
      %swap3A_249 = tpu.vector_load %arg8[%swap3A_247, %swap3A_248] {strides = array<i32>} : memref<128x128xf32, #tpu.memory_space<vmem>>, vector<1x16xf32>,
      %swap3A_250 = vector.shape_cast %swap3A_249 : vector<1x16xf32> to vector<16xf32>
      %swap3A_251 = vector.shape_cast %add3A_246 : vector<16xf32> to vector<1x16xf32>
      tpu.vector_store %arg8[%swap3A_247, %swap3A_248], %swap3A_251 {strides = array<i32>} : memref<128x128xf32, #tpu.memory_space<vmem>>, vector<1x16xf32>,
      %get3A_252 = arith.index_cast %scan3A_150 : i32 to index
      %get3A_253 = arith.constant 96 : index
      %get3A_254 = tpu.vector_load %arg8[%get3A_252, %get3A_253] {strides = array<i32>} : memref<128x128xf32, #tpu.memory_space<vmem>>, vector<1x16xf32>,
      %get3A_255 = vector.shape_cast %get3A_254 : vector<1x16xf32> to vector<16xf32>
      %mul3A_256 = arith.constant 11.3137083 : f32
      %mul3A_257 = vector.broadcast %mul3A_256 : f32 to vector<16xf32>
      %mul3A_258 = arith.mulf %get3A_255, %mul3A_257 : vector<16xf32>
      %get3A_259 = arith.index_cast %scan3A_150 : i32 to index
      %get3A_260 = arith.constant 96 : index
      %get3A_261 = tpu.vector_load %arg7[%get3A_259, %get3A_260] {strides = array<i32>} : memref<128x128xf32, #tpu.memory_space<vmem>>, vector<1x16xf32>,
      %get3A_262 = vector.shape_cast %get3A_261 : vector<1x16xf32> to vector<16xf32>
      %add3A_263 = arith.addf %mul3A_258, %get3A_262 : vector<16xf32>
      %swap3A_264 = arith.index_cast %scan3A_150 : i32 to index
      %swap3A_265 = arith.constant 96 : index
      %swap3A_266 = tpu.vector_load %arg8[%swap3A_264, %swap3A_265] {strides = array<i32>} : memref<128x128xf32, #tpu.memory_space<vmem>>, vector<1x16xf32>,
      %swap3A_267 = vector.shape_cast %swap3A_266 : vector<1x16xf32> to vector<16xf32>
      %swap3A_268 = vector.shape_cast %add3A_263 : vector<16xf32> to vector<1x16xf32>
      tpu.vector_store %arg8[%swap3A_264, %swap3A_265], %swap3A_268 {strides = array<i32>} : memref<128x128xf32, #tpu.memory_space<vmem>>, vector<1x16xf32>,
      %get3A_269 = arith.index_cast %scan3A_150 : i32 to index
      %get3A_270 = arith.constant 112 : index
      %get3A_271 = tpu.vector_load %arg8[%get3A_269, %get3A_270] {strides = array<i32>} : memref<128x128xf32, #tpu.memory_space<vmem>>, vector<1x16xf32>,
      %get3A_272 = vector.shape_cast %get3A_271 : vector<1x16xf32> to vector<16xf32>
      %mul3A_273 = arith.constant 11.3137083 : f32
      %mul3A_274 = vector.broadcast %mul3A_273 : f32 to vector<16xf32>
      %mul3A_275 = arith.mulf %get3A_272, %mul3A_274 : vector<16xf32>
      %get3A_276 = arith.index_cast %scan3A_150 : i32 to index
      %get3A_277 = arith.constant 112 : index
      %get3A_278 = tpu.vector_load %arg7[%get3A_276, %get3A_277] {strides = array<i32>} : memref<128x128xf32, #tpu.memory_space<vmem>>, vector<1x16xf32>,
      %get3A_279 = vector.shape_cast %get3A_278 : vector<1x16xf32> to vector<16xf32>
      %add3A_280 = arith.addf %mul3A_275, %get3A_279 : vector<16xf32>
      %swap3A_281 = arith.index_cast %scan3A_150 : i32 to index
      %swap3A_282 = arith.constant 112 : index
      %swap3A_283 = tpu.vector_load %arg8[%swap3A_281, %swap3A_282] {strides = array<i32>} : memref<128x128xf32, #tpu.memory_space<vmem>>, vector<1x16xf32>,
      %swap3A_284 = vector.shape_cast %swap3A_283 : vector<1x16xf32> to vector<16xf32>
      %swap3A_285 = vector.shape_cast %add3A_280 : vector<16xf32> to vector<1x16xf32>
      tpu.vector_store %arg8[%swap3A_281, %swap3A_282], %swap3A_285 {strides = array<i32>} : memref<128x128xf32, #tpu.memory_space<vmem>>, vector<1x16xf32>,
      %scan3A_286 = arith.constant 0 : i32
      scf.yield %scan3A_286 : i32
    }
    %scan3A_59 = arith.constant 128 : i32
    %mul3A_60 = arith.constant 128 : i32
    %mul3A_61 = arith.muli %add3A, %mul3A_60 : i32
    %add3A_62 = arith.constant 0 : i32
    %add3A_63 = arith.addi %add3A_62, %mul3A_61 : i32
    %dma_start3A_64 = arith.constant 0 : i32
    %dma_start3A_65 = tpu.memref_slice %arg5[%add3A_63, %dma_start3A_64] : memref<16384x128xf32, #tpu.memory_space<hbm>> -> memref<128x128xf32, #tpu.memory_space<hbm>>
    %dma_start3A_66 = arith.constant 0 : i32
    %dma_start3A_67 = tpu.memref_slice %arg5[%add3A_63, %dma_start3A_66] : memref<16384x128xf32, #tpu.memory_space<hbm>> -> memref<128x128xf32, #tpu.memory_space<hbm>>
    tpu.enqueue_dma source(%arg8 : memref<128x128xf32, #tpu.memory_space<vmem>>) target(%dma_start3A_67 : memref<128x128xf32, #tpu.memory_space<hbm>>) target_semaphore(%arg18 : memref<!tpu.dma_semaphore, #tpu.memory_space<semaphore_mem>>)
    %dma_wait3A_68 = arith.constant 1 : i32
    %dma_wait3A_69 = arith.constant 0 : i32
    %dma_wait3A_70 = tpu.memref_slice %arg6[%dma_wait3A_68, %dma_wait3A_69] : memref<4x128xi32, #tpu.memory_space<vmem>> -> memref<1x128xi32, #tpu.memory_space<vmem>>
    %dma_wait3A_71 = tpu.memref_squeeze %dma_wait3A_70 : memref<1x128xi32, #tpu.memory_space<vmem>> -> memref<128xi32, #tpu.memory_space<vmem>>
    %dma_wait3A_72 = arith.constant 0 : i32
    %dma_wait3A_73 = arith.constant 0 : i32
    %dma_wait3A_74 = tpu.memref_slice %arg3[%dma_wait3A_72, %dma_wait3A_73] : memref<100000x128xf32, #tpu.memory_space<hbm>> -> memref<100000x128xf32, #tpu.memory_space<hbm>>
    tpu.wait_indirect_dma semaphore(%arg15 : memref<!tpu.dma_semaphore, #tpu.memory_space<semaphore_mem>>) src(%dma_wait3A_74 : memref<100000x128xf32, #tpu.memory_space<hbm>>) dst(%arg9 : memref<128x128xf32, #tpu.memory_space<vmem>>)
    %scan3A_75 = arith.constant 0 : i32
    %scan3A_76 = arith.constant 0 : i32
    %scan3A_77 = arith.constant 128 : i32
    %scan3A_78 = arith.addi %scan3A_76, %scan3A_77 : i32
    %scan3A_79 = arith.constant 1 : i32
    %scan3A_80 = scf.for %scan3A_150 = %scan3A_76 to %scan3A_78 step %scan3A_79 iter_args(%scan3A_151 = %scan3A_75) -> (i32)  : i32 {
      %get3A = arith.index_cast %scan3A_150 : i32 to index
      %get3A_152 = arith.constant 0 : index
      %get3A_153 = tpu.vector_load %arg9[%get3A, %get3A_152] {strides = array<i32>} : memref<128x128xf32, #tpu.memory_space<vmem>>, vector<1x16xf32>,
      %get3A_154 = vector.shape_cast %get3A_153 : vector<1x16xf32> to vector<16xf32>
      %mul3A_155 = arith.constant 11.3137083 : f32
      %mul3A_156 = vector.broadcast %mul3A_155 : f32 to vector<16xf32>
      %mul3A_157 = arith.mulf %get3A_154, %mul3A_156 : vector<16xf32>
      %get3A_158 = arith.index_cast %scan3A_150 : i32 to index
      %get3A_159 = arith.constant 0 : index
      %get3A_160 = tpu.vector_load %arg7[%get3A_158, %get3A_159] {strides = array<i32>} : memref<128x128xf32, #tpu.memory_space<vmem>>, vector<1x16xf32>,
      %get3A_161 = vector.shape_cast %get3A_160 : vector<1x16xf32> to vector<16xf32>
      %add3A_162 = arith.addf %mul3A_157, %get3A_161 : vector<16xf32>
      %swap3A = arith.index_cast %scan3A_150 : i32 to index
      %swap3A_163 = arith.constant 0 : index
      %swap3A_164 = tpu.vector_load %arg9[%swap3A, %swap3A_163] {strides = array<i32>} : memref<128x128xf32, #tpu.memory_space<vmem>>, vector<1x16xf32>,
      %swap3A_165 = vector.shape_cast %swap3A_164 : vector<1x16xf32> to vector<16xf32>
      %swap3A_166 = vector.shape_cast %add3A_162 : vector<16xf32> to vector<1x16xf32>
      tpu.vector_store %arg9[%swap3A, %swap3A_163], %swap3A_166 {strides = array<i32>} : memref<128x128xf32, #tpu.memory_space<vmem>>, vector<1x16xf32>,
      %get3A_167 = arith.index_cast %scan3A_150 : i32 to index
      %get3A_168 = arith.constant 16 : index
      %get3A_169 = tpu.vector_load %arg9[%get3A_167, %get3A_168] {strides = array<i32>} : memref<128x128xf32, #tpu.memory_space<vmem>>, vector<1x16xf32>,
      %get3A_170 = vector.shape_cast %get3A_169 : vector<1x16xf32> to vector<16xf32>
      %mul3A_171 = arith.constant 11.3137083 : f32
      %mul3A_172 = vector.broadcast %mul3A_171 : f32 to vector<16xf32>
      %mul3A_173 = arith.mulf %get3A_170, %mul3A_172 : vector<16xf32>
      %get3A_174 = arith.index_cast %scan3A_150 : i32 to index
      %get3A_175 = arith.constant 16 : index
      %get3A_176 = tpu.vector_load %arg7[%get3A_174, %get3A_175] {strides = array<i32>} : memref<128x128xf32, #tpu.memory_space<vmem>>, vector<1x16xf32>,
      %get3A_177 = vector.shape_cast %get3A_176 : vector<1x16xf32> to vector<16xf32>
      %add3A_178 = arith.addf %mul3A_173, %get3A_177 : vector<16xf32>
      %swap3A_179 = arith.index_cast %scan3A_150 : i32 to index
      %swap3A_180 = arith.constant 16 : index
      %swap3A_181 = tpu.vector_load %arg9[%swap3A_179, %swap3A_180] {strides = array<i32>} : memref<128x128xf32, #tpu.memory_space<vmem>>, vector<1x16xf32>,
      %swap3A_182 = vector.shape_cast %swap3A_181 : vector<1x16xf32> to vector<16xf32>
      %swap3A_183 = vector.shape_cast %add3A_178 : vector<16xf32> to vector<1x16xf32>
      tpu.vector_store %arg9[%swap3A_179, %swap3A_180], %swap3A_183 {strides = array<i32>} : memref<128x128xf32, #tpu.memory_space<vmem>>, vector<1x16xf32>,
      %get3A_184 = arith.index_cast %scan3A_150 : i32 to index
      %get3A_185 = arith.constant 32 : index
      %get3A_186 = tpu.vector_load %arg9[%get3A_184, %get3A_185] {strides = array<i32>} : memref<128x128xf32, #tpu.memory_space<vmem>>, vector<1x16xf32>,
      %get3A_187 = vector.shape_cast %get3A_186 : vector<1x16xf32> to vector<16xf32>
      %mul3A_188 = arith.constant 11.3137083 : f32
      %mul3A_189 = vector.broadcast %mul3A_188 : f32 to vector<16xf32>
      %mul3A_190 = arith.mulf %get3A_187, %mul3A_189 : vector<16xf32>
      %get3A_191 = arith.index_cast %scan3A_150 : i32 to index
      %get3A_192 = arith.constant 32 : index
      %get3A_193 = tpu.vector_load %arg7[%get3A_191, %get3A_192] {strides = array<i32>} : memref<128x128xf32, #tpu.memory_space<vmem>>, vector<1x16xf32>,
      %get3A_194 = vector.shape_cast %get3A_193 : vector<1x16xf32> to vector<16xf32>
      %add3A_195 = arith.addf %mul3A_190, %get3A_194 : vector<16xf32>
      %swap3A_196 = arith.index_cast %scan3A_150 : i32 to index
      %swap3A_197 = arith.constant 32 : index
      %swap3A_198 = tpu.vector_load %arg9[%swap3A_196, %swap3A_197] {strides = array<i32>} : memref<128x128xf32, #tpu.memory_space<vmem>>, vector<1x16xf32>,
      %swap3A_199 = vector.shape_cast %swap3A_198 : vector<1x16xf32> to vector<16xf32>
      %swap3A_200 = vector.shape_cast %add3A_195 : vector<16xf32> to vector<1x16xf32>
      tpu.vector_store %arg9[%swap3A_196, %swap3A_197], %swap3A_200 {strides = array<i32>} : memref<128x128xf32, #tpu.memory_space<vmem>>, vector<1x16xf32>,
      %get3A_201 = arith.index_cast %scan3A_150 : i32 to index
      %get3A_202 = arith.constant 48 : index
      %get3A_203 = tpu.vector_load %arg9[%get3A_201, %get3A_202] {strides = array<i32>} : memref<128x128xf32, #tpu.memory_space<vmem>>, vector<1x16xf32>,
      %get3A_204 = vector.shape_cast %get3A_203 : vector<1x16xf32> to vector<16xf32>
      %mul3A_205 = arith.constant 11.3137083 : f32
      %mul3A_206 = vector.broadcast %mul3A_205 : f32 to vector<16xf32>
      %mul3A_207 = arith.mulf %get3A_204, %mul3A_206 : vector<16xf32>
      %get3A_208 = arith.index_cast %scan3A_150 : i32 to index
      %get3A_209 = arith.constant 48 : index
      %get3A_210 = tpu.vector_load %arg7[%get3A_208, %get3A_209] {strides = array<i32>} : memref<128x128xf32, #tpu.memory_space<vmem>>, vector<1x16xf32>,
      %get3A_211 = vector.shape_cast %get3A_210 : vector<1x16xf32> to vector<16xf32>
      %add3A_212 = arith.addf %mul3A_207, %get3A_211 : vector<16xf32>
      %swap3A_213 = arith.index_cast %scan3A_150 : i32 to index
      %swap3A_214 = arith.constant 48 : index
      %swap3A_215 = tpu.vector_load %arg9[%swap3A_213, %swap3A_214] {strides = array<i32>} : memref<128x128xf32, #tpu.memory_space<vmem>>, vector<1x16xf32>,
      %swap3A_216 = vector.shape_cast %swap3A_215 : vector<1x16xf32> to vector<16xf32>
      %swap3A_217 = vector.shape_cast %add3A_212 : vector<16xf32> to vector<1x16xf32>
      tpu.vector_store %arg9[%swap3A_213, %swap3A_214], %swap3A_217 {strides = array<i32>} : memref<128x128xf32, #tpu.memory_space<vmem>>, vector<1x16xf32>,
      %get3A_218 = arith.index_cast %scan3A_150 : i32 to index
      %get3A_219 = arith.constant 64 : index
      %get3A_220 = tpu.vector_load %arg9[%get3A_218, %get3A_219] {strides = array<i32>} : memref<128x128xf32, #tpu.memory_space<vmem>>, vector<1x16xf32>,
      %get3A_221 = vector.shape_cast %get3A_220 : vector<1x16xf32> to vector<16xf32>
      %mul3A_222 = arith.constant 11.3137083 : f32
      %mul3A_223 = vector.broadcast %mul3A_222 : f32 to vector<16xf32>
      %mul3A_224 = arith.mulf %get3A_221, %mul3A_223 : vector<16xf32>
      %get3A_225 = arith.index_cast %scan3A_150 : i32 to index
      %get3A_226 = arith.constant 64 : index
      %get3A_227 = tpu.vector_load %arg7[%get3A_225, %get3A_226] {strides = array<i32>} : memref<128x128xf32, #tpu.memory_space<vmem>>, vector<1x16xf32>,
      %get3A_228 = vector.shape_cast %get3A_227 : vector<1x16xf32> to vector<16xf32>
      %add3A_229 = arith.addf %mul3A_224, %get3A_228 : vector<16xf32>
      %swap3A_230 = arith.index_cast %scan3A_150 : i32 to index
      %swap3A_231 = arith.constant 64 : index
      %swap3A_232 = tpu.vector_load %arg9[%swap3A_230, %swap3A_231] {strides = array<i32>} : memref<128x128xf32, #tpu.memory_space<vmem>>, vector<1x16xf32>,
      %swap3A_233 = vector.shape_cast %swap3A_232 : vector<1x16xf32> to vector<16xf32>
      %swap3A_234 = vector.shape_cast %add3A_229 : vector<16xf32> to vector<1x16xf32>
      tpu.vector_store %arg9[%swap3A_230, %swap3A_231], %swap3A_234 {strides = array<i32>} : memref<128x128xf32, #tpu.memory_space<vmem>>, vector<1x16xf32>,
      %get3A_235 = arith.index_cast %scan3A_150 : i32 to index
      %get3A_236 = arith.constant 80 : index
      %get3A_237 = tpu.vector_load %arg9[%get3A_235, %get3A_236] {strides = array<i32>} : memref<128x128xf32, #tpu.memory_space<vmem>>, vector<1x16xf32>,
      %get3A_238 = vector.shape_cast %get3A_237 : vector<1x16xf32> to vector<16xf32>
      %mul3A_239 = arith.constant 11.3137083 : f32
      %mul3A_240 = vector.broadcast %mul3A_239 : f32 to vector<16xf32>
      %mul3A_241 = arith.mulf %get3A_238, %mul3A_240 : vector<16xf32>
      %get3A_242 = arith.index_cast %scan3A_150 : i32 to index
      %get3A_243 = arith.constant 80 : index
      %get3A_244 = tpu.vector_load %arg7[%get3A_242, %get3A_243] {strides = array<i32>} : memref<128x128xf32, #tpu.memory_space<vmem>>, vector<1x16xf32>,
      %get3A_245 = vector.shape_cast %get3A_244 : vector<1x16xf32> to vector<16xf32>
      %add3A_246 = arith.addf %mul3A_241, %get3A_245 : vector<16xf32>
      %swap3A_247 = arith.index_cast %scan3A_150 : i32 to index
      %swap3A_248 = arith.constant 80 : index
      %swap3A_249 = tpu.vector_load %arg9[%swap3A_247, %swap3A_248] {strides = array<i32>} : memref<128x128xf32, #tpu.memory_space<vmem>>, vector<1x16xf32>,
      %swap3A_250 = vector.shape_cast %swap3A_249 : vector<1x16xf32> to vector<16xf32>
      %swap3A_251 = vector.shape_cast %add3A_246 : vector<16xf32> to vector<1x16xf32>
      tpu.vector_store %arg9[%swap3A_247, %swap3A_248], %swap3A_251 {strides = array<i32>} : memref<128x128xf32, #tpu.memory_space<vmem>>, vector<1x16xf32>,
      %get3A_252 = arith.index_cast %scan3A_150 : i32 to index
      %get3A_253 = arith.constant 96 : index
      %get3A_254 = tpu.vector_load %arg9[%get3A_252, %get3A_253] {strides = array<i32>} : memref<128x128xf32, #tpu.memory_space<vmem>>, vector<1x16xf32>,
      %get3A_255 = vector.shape_cast %get3A_254 : vector<1x16xf32> to vector<16xf32>
      %mul3A_256 = arith.constant 11.3137083 : f32
      %mul3A_257 = vector.broadcast %mul3A_256 : f32 to vector<16xf32>
      %mul3A_258 = arith.mulf %get3A_255, %mul3A_257 : vector<16xf32>
      %get3A_259 = arith.index_cast %scan3A_150 : i32 to index
      %get3A_260 = arith.constant 96 : index
      %get3A_261 = tpu.vector_load %arg7[%get3A_259, %get3A_260] {strides = array<i32>} : memref<128x128xf32, #tpu.memory_space<vmem>>, vector<1x16xf32>,
      %get3A_262 = vector.shape_cast %get3A_261 : vector<1x16xf32> to vector<16xf32>
      %add3A_263 = arith.addf %mul3A_258, %get3A_262 : vector<16xf32>
      %swap3A_264 = arith.index_cast %scan3A_150 : i32 to index
      %swap3A_265 = arith.constant 96 : index
      %swap3A_266 = tpu.vector_load %arg9[%swap3A_264, %swap3A_265] {strides = array<i32>} : memref<128x128xf32, #tpu.memory_space<vmem>>, vector<1x16xf32>,
      %swap3A_267 = vector.shape_cast %swap3A_266 : vector<1x16xf32> to vector<16xf32>
      %swap3A_268 = vector.shape_cast %add3A_263 : vector<16xf32> to vector<1x16xf32>
      tpu.vector_store %arg9[%swap3A_264, %swap3A_265], %swap3A_268 {strides = array<i32>} : memref<128x128xf32, #tpu.memory_space<vmem>>, vector<1x16xf32>,
      %get3A_269 = arith.index_cast %scan3A_150 : i32 to index
      %get3A_270 = arith.constant 112 : index
      %get3A_271 = tpu.vector_load %arg9[%get3A_269, %get3A_270] {strides = array<i32>} : memref<128x128xf32, #tpu.memory_space<vmem>>, vector<1x16xf32>,
      %get3A_272 = vector.shape_cast %get3A_271 : vector<1x16xf32> to vector<16xf32>
      %mul3A_273 = arith.constant 11.3137083 : f32
      %mul3A_274 = vector.broadcast %mul3A_273 : f32 to vector<16xf32>
      %mul3A_275 = arith.mulf %get3A_272, %mul3A_274 : vector<16xf32>
      %get3A_276 = arith.index_cast %scan3A_150 : i32 to index
      %get3A_277 = arith.constant 112 : index
      %get3A_278 = tpu.vector_load %arg7[%get3A_276, %get3A_277] {strides = array<i32>} : memref<128x128xf32, #tpu.memory_space<vmem>>, vector<1x16xf32>,
      %get3A_279 = vector.shape_cast %get3A_278 : vector<1x16xf32> to vector<16xf32>
      %add3A_280 = arith.addf %mul3A_275, %get3A_279 : vector<16xf32>
      %swap3A_281 = arith.index_cast %scan3A_150 : i32 to index
      %swap3A_282 = arith.constant 112 : index
      %swap3A_283 = tpu.vector_load %arg9[%swap3A_281, %swap3A_282] {strides = array<i32>} : memref<128x128xf32, #tpu.memory_space<vmem>>, vector<1x16xf32>,
      %swap3A_284 = vector.shape_cast %swap3A_283 : vector<1x16xf32> to vector<16xf32>
      %swap3A_285 = vector.shape_cast %add3A_280 : vector<16xf32> to vector<1x16xf32>
      tpu.vector_store %arg9[%swap3A_281, %swap3A_282], %swap3A_285 {strides = array<i32>} : memref<128x128xf32, #tpu.memory_space<vmem>>, vector<1x16xf32>,
      %scan3A_286 = arith.constant 0 : i32
      scf.yield %scan3A_286 : i32
    }
    %scan3A_81 = arith.constant 128 : i32
    %mul3A_82 = arith.constant 128 : i32
    %mul3A_83 = arith.muli %add3A, %mul3A_82 : i32
    %add3A_84 = arith.constant 4096 : i32
    %add3A_85 = arith.addi %add3A_84, %mul3A_83 : i32
    %dma_start3A_86 = arith.constant 0 : i32
    %dma_start3A_87 = tpu.memref_slice %arg5[%add3A_85, %dma_start3A_86] : memref<16384x128xf32, #tpu.memory_space<hbm>> -> memref<128x128xf32, #tpu.memory_space<hbm>>
    %dma_start3A_88 = arith.constant 0 : i32
    %dma_start3A_89 = tpu.memref_slice %arg5[%add3A_85, %dma_start3A_88] : memref<16384x128xf32, #tpu.memory_space<hbm>> -> memref<128x128xf32, #tpu.memory_space<hbm>>
    tpu.enqueue_dma source(%arg9 : memref<128x128xf32, #tpu.memory_space<vmem>>) target(%dma_start3A_89 : memref<128x128xf32, #tpu.memory_space<hbm>>) target_semaphore(%arg19 : memref<!tpu.dma_semaphore, #tpu.memory_space<semaphore_mem>>)
    %dma_wait3A_90 = arith.constant 2 : i32
    %dma_wait3A_91 = arith.constant 0 : i32
    %dma_wait3A_92 = tpu.memref_slice %arg6[%dma_wait3A_90, %dma_wait3A_91] : memref<4x128xi32, #tpu.memory_space<vmem>> -> memref<1x128xi32, #tpu.memory_space<vmem>>
    %dma_wait3A_93 = tpu.memref_squeeze %dma_wait3A_92 : memref<1x128xi32, #tpu.memory_space<vmem>> -> memref<128xi32, #tpu.memory_space<vmem>>
    %dma_wait3A_94 = arith.constant 0 : i32
    %dma_wait3A_95 = arith.constant 0 : i32
    %dma_wait3A_96 = tpu.memref_slice %arg3[%dma_wait3A_94, %dma_wait3A_95] : memref<100000x128xf32, #tpu.memory_space<hbm>> -> memref<100000x128xf32, #tpu.memory_space<hbm>>
    tpu.wait_indirect_dma semaphore(%arg16 : memref<!tpu.dma_semaphore, #tpu.memory_space<semaphore_mem>>) src(%dma_wait3A_96 : memref<100000x128xf32, #tpu.memory_space<hbm>>) dst(%arg10 : memref<128x128xf32, #tpu.memory_space<vmem>>)
    %scan3A_97 = arith.constant 0 : i32
    %scan3A_98 = arith.constant 0 : i32
    %scan3A_99 = arith.constant 128 : i32
    %scan3A_100 = arith.addi %scan3A_98, %scan3A_99 : i32
    %scan3A_101 = arith.constant 1 : i32
    %scan3A_102 = scf.for %scan3A_150 = %scan3A_98 to %scan3A_100 step %scan3A_101 iter_args(%scan3A_151 = %scan3A_97) -> (i32)  : i32 {
      %get3A = arith.index_cast %scan3A_150 : i32 to index
      %get3A_152 = arith.constant 0 : index
      %get3A_153 = tpu.vector_load %arg10[%get3A, %get3A_152] {strides = array<i32>} : memref<128x128xf32, #tpu.memory_space<vmem>>, vector<1x16xf32>,
      %get3A_154 = vector.shape_cast %get3A_153 : vector<1x16xf32> to vector<16xf32>
      %mul3A_155 = arith.constant 11.3137083 : f32
      %mul3A_156 = vector.broadcast %mul3A_155 : f32 to vector<16xf32>
      %mul3A_157 = arith.mulf %get3A_154, %mul3A_156 : vector<16xf32>
      %get3A_158 = arith.index_cast %scan3A_150 : i32 to index
      %get3A_159 = arith.constant 0 : index
      %get3A_160 = tpu.vector_load %arg7[%get3A_158, %get3A_159] {strides = array<i32>} : memref<128x128xf32, #tpu.memory_space<vmem>>, vector<1x16xf32>,
      %get3A_161 = vector.shape_cast %get3A_160 : vector<1x16xf32> to vector<16xf32>
      %add3A_162 = arith.addf %mul3A_157, %get3A_161 : vector<16xf32>
      %swap3A = arith.index_cast %scan3A_150 : i32 to index
      %swap3A_163 = arith.constant 0 : index
      %swap3A_164 = tpu.vector_load %arg10[%swap3A, %swap3A_163] {strides = array<i32>} : memref<128x128xf32, #tpu.memory_space<vmem>>, vector<1x16xf32>,
      %swap3A_165 = vector.shape_cast %swap3A_164 : vector<1x16xf32> to vector<16xf32>
      %swap3A_166 = vector.shape_cast %add3A_162 : vector<16xf32> to vector<1x16xf32>
      tpu.vector_store %arg10[%swap3A, %swap3A_163], %swap3A_166 {strides = array<i32>} : memref<128x128xf32, #tpu.memory_space<vmem>>, vector<1x16xf32>,
      %get3A_167 = arith.index_cast %scan3A_150 : i32 to index
      %get3A_168 = arith.constant 16 : index
      %get3A_169 = tpu.vector_load %arg10[%get3A_167, %get3A_168] {strides = array<i32>} : memref<128x128xf32, #tpu.memory_space<vmem>>, vector<1x16xf32>,
      %get3A_170 = vector.shape_cast %get3A_169 : vector<1x16xf32> to vector<16xf32>
      %mul3A_171 = arith.constant 11.3137083 : f32
      %mul3A_172 = vector.broadcast %mul3A_171 : f32 to vector<16xf32>
      %mul3A_173 = arith.mulf %get3A_170, %mul3A_172 : vector<16xf32>
      %get3A_174 = arith.index_cast %scan3A_150 : i32 to index
      %get3A_175 = arith.constant 16 : index
      %get3A_176 = tpu.vector_load %arg7[%get3A_174, %get3A_175] {strides = array<i32>} : memref<128x128xf32, #tpu.memory_space<vmem>>, vector<1x16xf32>,
      %get3A_177 = vector.shape_cast %get3A_176 : vector<1x16xf32> to vector<16xf32>
      %add3A_178 = arith.addf %mul3A_173, %get3A_177 : vector<16xf32>
      %swap3A_179 = arith.index_cast %scan3A_150 : i32 to index
      %swap3A_180 = arith.constant 16 : index
      %swap3A_181 = tpu.vector_load %arg10[%swap3A_179, %swap3A_180] {strides = array<i32>} : memref<128x128xf32, #tpu.memory_space<vmem>>, vector<1x16xf32>,
      %swap3A_182 = vector.shape_cast %swap3A_181 : vector<1x16xf32> to vector<16xf32>
      %swap3A_183 = vector.shape_cast %add3A_178 : vector<16xf32> to vector<1x16xf32>
      tpu.vector_store %arg10[%swap3A_179, %swap3A_180], %swap3A_183 {strides = array<i32>} : memref<128x128xf32, #tpu.memory_space<vmem>>, vector<1x16xf32>,
      %get3A_184 = arith.index_cast %scan3A_150 : i32 to index
      %get3A_185 = arith.constant 32 : index
      %get3A_186 = tpu.vector_load %arg10[%get3A_184, %get3A_185] {strides = array<i32>} : memref<128x128xf32, #tpu.memory_space<vmem>>, vector<1x16xf32>,
      %get3A_187 = vector.shape_cast %get3A_186 : vector<1x16xf32> to vector<16xf32>
      %mul3A_188 = arith.constant 11.3137083 : f32
      %mul3A_189 = vector.broadcast %mul3A_188 : f32 to vector<16xf32>
      %mul3A_190 = arith.mulf %get3A_187, %mul3A_189 : vector<16xf32>
      %get3A_191 = arith.index_cast %scan3A_150 : i32 to index
      %get3A_192 = arith.constant 32 : index
      %get3A_193 = tpu.vector_load %arg7[%get3A_191, %get3A_192] {strides = array<i32>} : memref<128x128xf32, #tpu.memory_space<vmem>>, vector<1x16xf32>,
      %get3A_194 = vector.shape_cast %get3A_193 : vector<1x16xf32> to vector<16xf32>
      %add3A_195 = arith.addf %mul3A_190, %get3A_194 : vector<16xf32>
      %swap3A_196 = arith.index_cast %scan3A_150 : i32 to index
      %swap3A_197 = arith.constant 32 : index
      %swap3A_198 = tpu.vector_load %arg10[%swap3A_196, %swap3A_197] {strides = array<i32>} : memref<128x128xf32, #tpu.memory_space<vmem>>, vector<1x16xf32>,
      %swap3A_199 = vector.shape_cast %swap3A_198 : vector<1x16xf32> to vector<16xf32>
      %swap3A_200 = vector.shape_cast %add3A_195 : vector<16xf32> to vector<1x16xf32>
      tpu.vector_store %arg10[%swap3A_196, %swap3A_197], %swap3A_200 {strides = array<i32>} : memref<128x128xf32, #tpu.memory_space<vmem>>, vector<1x16xf32>,
      %get3A_201 = arith.index_cast %scan3A_150 : i32 to index
      %get3A_202 = arith.constant 48 : index
      %get3A_203 = tpu.vector_load %arg10[%get3A_201, %get3A_202] {strides = array<i32>} : memref<128x128xf32, #tpu.memory_space<vmem>>, vector<1x16xf32>,
      %get3A_204 = vector.shape_cast %get3A_203 : vector<1x16xf32> to vector<16xf32>
      %mul3A_205 = arith.constant 11.3137083 : f32
      %mul3A_206 = vector.broadcast %mul3A_205 : f32 to vector<16xf32>
      %mul3A_207 = arith.mulf %get3A_204, %mul3A_206 : vector<16xf32>
      %get3A_208 = arith.index_cast %scan3A_150 : i32 to index
      %get3A_209 = arith.constant 48 : index
      %get3A_210 = tpu.vector_load %arg7[%get3A_208, %get3A_209] {strides = array<i32>} : memref<128x128xf32, #tpu.memory_space<vmem>>, vector<1x16xf32>,
      %get3A_211 = vector.shape_cast %get3A_210 : vector<1x16xf32> to vector<16xf32>
      %add3A_212 = arith.addf %mul3A_207, %get3A_211 : vector<16xf32>
      %swap3A_213 = arith.index_cast %scan3A_150 : i32 to index
      %swap3A_214 = arith.constant 48 : index
      %swap3A_215 = tpu.vector_load %arg10[%swap3A_213, %swap3A_214] {strides = array<i32>} : memref<128x128xf32, #tpu.memory_space<vmem>>, vector<1x16xf32>,
      %swap3A_216 = vector.shape_cast %swap3A_215 : vector<1x16xf32> to vector<16xf32>
      %swap3A_217 = vector.shape_cast %add3A_212 : vector<16xf32> to vector<1x16xf32>
      tpu.vector_store %arg10[%swap3A_213, %swap3A_214], %swap3A_217 {strides = array<i32>} : memref<128x128xf32, #tpu.memory_space<vmem>>, vector<1x16xf32>,
      %get3A_218 = arith.index_cast %scan3A_150 : i32 to index
      %get3A_219 = arith.constant 64 : index
      %get3A_220 = tpu.vector_load %arg10[%get3A_218, %get3A_219] {strides = array<i32>} : memref<128x128xf32, #tpu.memory_space<vmem>>, vector<1x16xf32>,
      %get3A_221 = vector.shape_cast %get3A_220 : vector<1x16xf32> to vector<16xf32>
      %mul3A_222 = arith.constant 11.3137083 : f32
      %mul3A_223 = vector.broadcast %mul3A_222 : f32 to vector<16xf32>
      %mul3A_224 = arith.mulf %get3A_221, %mul3A_223 : vector<16xf32>
      %get3A_225 = arith.index_cast %scan3A_150 : i32 to index
      %get3A_226 = arith.constant 64 : index
      %get3A_227 = tpu.vector_load %arg7[%get3A_225, %get3A_226] {strides = array<i32>} : memref<128x128xf32, #tpu.memory_space<vmem>>, vector<1x16xf32>,
      %get3A_228 = vector.shape_cast %get3A_227 : vector<1x16xf32> to vector<16xf32>
      %add3A_229 = arith.addf %mul3A_224, %get3A_228 : vector<16xf32>
      %swap3A_230 = arith.index_cast %scan3A_150 : i32 to index
      %swap3A_231 = arith.constant 64 : index
      %swap3A_232 = tpu.vector_load %arg10[%swap3A_230, %swap3A_231] {strides = array<i32>} : memref<128x128xf32, #tpu.memory_space<vmem>>, vector<1x16xf32>,
      %swap3A_233 = vector.shape_cast %swap3A_232 : vector<1x16xf32> to vector<16xf32>
      %swap3A_234 = vector.shape_cast %add3A_229 : vector<16xf32> to vector<1x16xf32>
      tpu.vector_store %arg10[%swap3A_230, %swap3A_231], %swap3A_234 {strides = array<i32>} : memref<128x128xf32, #tpu.memory_space<vmem>>, vector<1x16xf32>,
      %get3A_235 = arith.index_cast %scan3A_150 : i32 to index
      %get3A_236 = arith.constant 80 : index
      %get3A_237 = tpu.vector_load %arg10[%get3A_235, %get3A_236] {strides = array<i32>} : memref<128x128xf32, #tpu.memory_space<vmem>>, vector<1x16xf32>,
      %get3A_238 = vector.shape_cast %get3A_237 : vector<1x16xf32> to vector<16xf32>
      %mul3A_239 = arith.constant 11.3137083 : f32
      %mul3A_240 = vector.broadcast %mul3A_239 : f32 to vector<16xf32>
      %mul3A_241 = arith.mulf %get3A_238, %mul3A_240 : vector<16xf32>
      %get3A_242 = arith.index_cast %scan3A_150 : i32 to index
      %get3A_243 = arith.constant 80 : index
      %get3A_244 = tpu.vector_load %arg7[%get3A_242, %get3A_243] {strides = array<i32>} : memref<128x128xf32, #tpu.memory_space<vmem>>, vector<1x16xf32>,
      %get3A_245 = vector.shape_cast %get3A_244 : vector<1x16xf32> to vector<16xf32>
      %add3A_246 = arith.addf %mul3A_241, %get3A_245 : vector<16xf32>
      %swap3A_247 = arith.index_cast %scan3A_150 : i32 to index
      %swap3A_248 = arith.constant 80 : index
      %swap3A_249 = tpu.vector_load %arg10[%swap3A_247, %swap3A_248] {strides = array<i32>} : memref<128x128xf32, #tpu.memory_space<vmem>>, vector<1x16xf32>,
      %swap3A_250 = vector.shape_cast %swap3A_249 : vector<1x16xf32> to vector<16xf32>
      %swap3A_251 = vector.shape_cast %add3A_246 : vector<16xf32> to vector<1x16xf32>
      tpu.vector_store %arg10[%swap3A_247, %swap3A_248], %swap3A_251 {strides = array<i32>} : memref<128x128xf32, #tpu.memory_space<vmem>>, vector<1x16xf32>,
      %get3A_252 = arith.index_cast %scan3A_150 : i32 to index
      %get3A_253 = arith.constant 96 : index
      %get3A_254 = tpu.vector_load %arg10[%get3A_252, %get3A_253] {strides = array<i32>} : memref<128x128xf32, #tpu.memory_space<vmem>>, vector<1x16xf32>,
      %get3A_255 = vector.shape_cast %get3A_254 : vector<1x16xf32> to vector<16xf32>
      %mul3A_256 = arith.constant 11.3137083 : f32
      %mul3A_257 = vector.broadcast %mul3A_256 : f32 to vector<16xf32>
      %mul3A_258 = arith.mulf %get3A_255, %mul3A_257 : vector<16xf32>
      %get3A_259 = arith.index_cast %scan3A_150 : i32 to index
      %get3A_260 = arith.constant 96 : index
      %get3A_261 = tpu.vector_load %arg7[%get3A_259, %get3A_260] {strides = array<i32>} : memref<128x128xf32, #tpu.memory_space<vmem>>, vector<1x16xf32>,
      %get3A_262 = vector.shape_cast %get3A_261 : vector<1x16xf32> to vector<16xf32>
      %add3A_263 = arith.addf %mul3A_258, %get3A_262 : vector<16xf32>
      %swap3A_264 = arith.index_cast %scan3A_150 : i32 to index
      %swap3A_265 = arith.constant 96 : index
      %swap3A_266 = tpu.vector_load %arg10[%swap3A_264, %swap3A_265] {strides = array<i32>} : memref<128x128xf32, #tpu.memory_space<vmem>>, vector<1x16xf32>,
      %swap3A_267 = vector.shape_cast %swap3A_266 : vector<1x16xf32> to vector<16xf32>
      %swap3A_268 = vector.shape_cast %add3A_263 : vector<16xf32> to vector<1x16xf32>
      tpu.vector_store %arg10[%swap3A_264, %swap3A_265], %swap3A_268 {strides = array<i32>} : memref<128x128xf32, #tpu.memory_space<vmem>>, vector<1x16xf32>,
      %get3A_269 = arith.index_cast %scan3A_150 : i32 to index
      %get3A_270 = arith.constant 112 : index
      %get3A_271 = tpu.vector_load %arg10[%get3A_269, %get3A_270] {strides = array<i32>} : memref<128x128xf32, #tpu.memory_space<vmem>>, vector<1x16xf32>,
      %get3A_272 = vector.shape_cast %get3A_271 : vector<1x16xf32> to vector<16xf32>
      %mul3A_273 = arith.constant 11.3137083 : f32
      %mul3A_274 = vector.broadcast %mul3A_273 : f32 to vector<16xf32>
      %mul3A_275 = arith.mulf %get3A_272, %mul3A_274 : vector<16xf32>
      %get3A_276 = arith.index_cast %scan3A_150 : i32 to index
      %get3A_277 = arith.constant 112 : index
      %get3A_278 = tpu.vector_load %arg7[%get3A_276, %get3A_277] {strides = array<i32>} : memref<128x128xf32, #tpu.memory_space<vmem>>, vector<1x16xf32>,
      %get3A_279 = vector.shape_cast %get3A_278 : vector<1x16xf32> to vector<16xf32>
      %add3A_280 = arith.addf %mul3A_275, %get3A_279 : vector<16xf32>
      %swap3A_281 = arith.index_cast %scan3A_150 : i32 to index
      %swap3A_282 = arith.constant 112 : index
      %swap3A_283 = tpu.vector_load %arg10[%swap3A_281, %swap3A_282] {strides = array<i32>} : memref<128x128xf32, #tpu.memory_space<vmem>>, vector<1x16xf32>,
      %swap3A_284 = vector.shape_cast %swap3A_283 : vector<1x16xf32> to vector<16xf32>
      %swap3A_285 = vector.shape_cast %add3A_280 : vector<16xf32> to vector<1x16xf32>
      tpu.vector_store %arg10[%swap3A_281, %swap3A_282], %swap3A_285 {strides = array<i32>} : memref<128x128xf32, #tpu.memory_space<vmem>>, vector<1x16xf32>,
      %scan3A_286 = arith.constant 0 : i32
      scf.yield %scan3A_286 : i32
    }
    %scan3A_103 = arith.constant 128 : i32
    %mul3A_104 = arith.constant 128 : i32
    %mul3A_105 = arith.muli %add3A, %mul3A_104 : i32
    %add3A_106 = arith.constant 8192 : i32
    %add3A_107 = arith.addi %add3A_106, %mul3A_105 : i32
    %dma_start3A_108 = arith.constant 0 : i32
    %dma_start3A_109 = tpu.memref_slice %arg5[%add3A_107, %dma_start3A_108] : memref<16384x128xf32, #tpu.memory_space<hbm>> -> memref<128x128xf32, #tpu.memory_space<hbm>>
    %dma_start3A_110 = arith.constant 0 : i32
    %dma_start3A_111 = tpu.memref_slice %arg5[%add3A_107, %dma_start3A_110] : memref<16384x128xf32, #tpu.memory_space<hbm>> -> memref<128x128xf32, #tpu.memory_space<hbm>>
    tpu.enqueue_dma source(%arg10 : memref<128x128xf32, #tpu.memory_space<vmem>>) target(%dma_start3A_111 : memref<128x128xf32, #tpu.memory_space<hbm>>) target_semaphore(%arg20 : memref<!tpu.dma_semaphore, #tpu.memory_space<semaphore_mem>>)
    %dma_wait3A_112 = arith.constant 3 : i32
    %dma_wait3A_113 = arith.constant 0 : i32
    %dma_wait3A_114 = tpu.memref_slice %arg6[%dma_wait3A_112, %dma_wait3A_113] : memref<4x128xi32, #tpu.memory_space<vmem>> -> memref<1x128xi32, #tpu.memory_space<vmem>>
    %dma_wait3A_115 = tpu.memref_squeeze %dma_wait3A_114 : memref<1x128xi32, #tpu.memory_space<vmem>> -> memref<128xi32, #tpu.memory_space<vmem>>
    %dma_wait3A_116 = arith.constant 0 : i32
    %dma_wait3A_117 = arith.constant 0 : i32
    %dma_wait3A_118 = tpu.memref_slice %arg3[%dma_wait3A_116, %dma_wait3A_117] : memref<100000x128xf32, #tpu.memory_space<hbm>> -> memref<100000x128xf32, #tpu.memory_space<hbm>>
    tpu.wait_indirect_dma semaphore(%arg17 : memref<!tpu.dma_semaphore, #tpu.memory_space<semaphore_mem>>) src(%dma_wait3A_118 : memref<100000x128xf32, #tpu.memory_space<hbm>>) dst(%arg11 : memref<128x128xf32, #tpu.memory_space<vmem>>)
    %scan3A_119 = arith.constant 0 : i32
    %scan3A_120 = arith.constant 0 : i32
    %scan3A_121 = arith.constant 128 : i32
    %scan3A_122 = arith.addi %scan3A_120, %scan3A_121 : i32
    %scan3A_123 = arith.constant 1 : i32
    %scan3A_124 = scf.for %scan3A_150 = %scan3A_120 to %scan3A_122 step %scan3A_123 iter_args(%scan3A_151 = %scan3A_119) -> (i32)  : i32 {
      %get3A = arith.index_cast %scan3A_150 : i32 to index
      %get3A_152 = arith.constant 0 : index
      %get3A_153 = tpu.vector_load %arg11[%get3A, %get3A_152] {strides = array<i32>} : memref<128x128xf32, #tpu.memory_space<vmem>>, vector<1x16xf32>,
      %get3A_154 = vector.shape_cast %get3A_153 : vector<1x16xf32> to vector<16xf32>
      %mul3A_155 = arith.constant 11.3137083 : f32
      %mul3A_156 = vector.broadcast %mul3A_155 : f32 to vector<16xf32>
      %mul3A_157 = arith.mulf %get3A_154, %mul3A_156 : vector<16xf32>
      %get3A_158 = arith.index_cast %scan3A_150 : i32 to index
      %get3A_159 = arith.constant 0 : index
      %get3A_160 = tpu.vector_load %arg7[%get3A_158, %get3A_159] {strides = array<i32>} : memref<128x128xf32, #tpu.memory_space<vmem>>, vector<1x16xf32>,
      %get3A_161 = vector.shape_cast %get3A_160 : vector<1x16xf32> to vector<16xf32>
      %add3A_162 = arith.addf %mul3A_157, %get3A_161 : vector<16xf32>
      %swap3A = arith.index_cast %scan3A_150 : i32 to index
      %swap3A_163 = arith.constant 0 : index
      %swap3A_164 = tpu.vector_load %arg11[%swap3A, %swap3A_163] {strides = array<i32>} : memref<128x128xf32, #tpu.memory_space<vmem>>, vector<1x16xf32>,
      %swap3A_165 = vector.shape_cast %swap3A_164 : vector<1x16xf32> to vector<16xf32>
      %swap3A_166 = vector.shape_cast %add3A_162 : vector<16xf32> to vector<1x16xf32>
      tpu.vector_store %arg11[%swap3A, %swap3A_163], %swap3A_166 {strides = array<i32>} : memref<128x128xf32, #tpu.memory_space<vmem>>, vector<1x16xf32>,
      %get3A_167 = arith.index_cast %scan3A_150 : i32 to index
      %get3A_168 = arith.constant 16 : index
      %get3A_169 = tpu.vector_load %arg11[%get3A_167, %get3A_168] {strides = array<i32>} : memref<128x128xf32, #tpu.memory_space<vmem>>, vector<1x16xf32>,
      %get3A_170 = vector.shape_cast %get3A_169 : vector<1x16xf32> to vector<16xf32>
      %mul3A_171 = arith.constant 11.3137083 : f32
      %mul3A_172 = vector.broadcast %mul3A_171 : f32 to vector<16xf32>
      %mul3A_173 = arith.mulf %get3A_170, %mul3A_172 : vector<16xf32>
      %get3A_174 = arith.index_cast %scan3A_150 : i32 to index
      %get3A_175 = arith.constant 16 : index
      %get3A_176 = tpu.vector_load %arg7[%get3A_174, %get3A_175] {strides = array<i32>} : memref<128x128xf32, #tpu.memory_space<vmem>>, vector<1x16xf32>,
      %get3A_177 = vector.shape_cast %get3A_176 : vector<1x16xf32> to vector<16xf32>
      %add3A_178 = arith.addf %mul3A_173, %get3A_177 : vector<16xf32>
      %swap3A_179 = arith.index_cast %scan3A_150 : i32 to index
      %swap3A_180 = arith.constant 16 : index
      %swap3A_181 = tpu.vector_load %arg11[%swap3A_179, %swap3A_180] {strides = array<i32>} : memref<128x128xf32, #tpu.memory_space<vmem>>, vector<1x16xf32>,
      %swap3A_182 = vector.shape_cast %swap3A_181 : vector<1x16xf32> to vector<16xf32>
      %swap3A_183 = vector.shape_cast %add3A_178 : vector<16xf32> to vector<1x16xf32>
      tpu.vector_store %arg11[%swap3A_179, %swap3A_180], %swap3A_183 {strides = array<i32>} : memref<128x128xf32, #tpu.memory_space<vmem>>, vector<1x16xf32>,
      %get3A_184 = arith.index_cast %scan3A_150 : i32 to index
      %get3A_185 = arith.constant 32 : index
      %get3A_186 = tpu.vector_load %arg11[%get3A_184, %get3A_185] {strides = array<i32>} : memref<128x128xf32, #tpu.memory_space<vmem>>, vector<1x16xf32>,
      %get3A_187 = vector.shape_cast %get3A_186 : vector<1x16xf32> to vector<16xf32>
      %mul3A_188 = arith.constant 11.3137083 : f32
      %mul3A_189 = vector.broadcast %mul3A_188 : f32 to vector<16xf32>
      %mul3A_190 = arith.mulf %get3A_187, %mul3A_189 : vector<16xf32>
      %get3A_191 = arith.index_cast %scan3A_150 : i32 to index
      %get3A_192 = arith.constant 32 : index
      %get3A_193 = tpu.vector_load %arg7[%get3A_191, %get3A_192] {strides = array<i32>} : memref<128x128xf32, #tpu.memory_space<vmem>>, vector<1x16xf32>,
      %get3A_194 = vector.shape_cast %get3A_193 : vector<1x16xf32> to vector<16xf32>
      %add3A_195 = arith.addf %mul3A_190, %get3A_194 : vector<16xf32>
      %swap3A_196 = arith.index_cast %scan3A_150 : i32 to index
      %swap3A_197 = arith.constant 32 : index
      %swap3A_198 = tpu.vector_load %arg11[%swap3A_196, %swap3A_197] {strides = array<i32>} : memref<128x128xf32, #tpu.memory_space<vmem>>, vector<1x16xf32>,
      %swap3A_199 = vector.shape_cast %swap3A_198 : vector<1x16xf32> to vector<16xf32>
      %swap3A_200 = vector.shape_cast %add3A_195 : vector<16xf32> to vector<1x16xf32>
      tpu.vector_store %arg11[%swap3A_196, %swap3A_197], %swap3A_200 {strides = array<i32>} : memref<128x128xf32, #tpu.memory_space<vmem>>, vector<1x16xf32>,
      %get3A_201 = arith.index_cast %scan3A_150 : i32 to index
      %get3A_202 = arith.constant 48 : index
      %get3A_203 = tpu.vector_load %arg11[%get3A_201, %get3A_202] {strides = array<i32>} : memref<128x128xf32, #tpu.memory_space<vmem>>, vector<1x16xf32>,
      %get3A_204 = vector.shape_cast %get3A_203 : vector<1x16xf32> to vector<16xf32>
      %mul3A_205 = arith.constant 11.3137083 : f32
      %mul3A_206 = vector.broadcast %mul3A_205 : f32 to vector<16xf32>
      %mul3A_207 = arith.mulf %get3A_204, %mul3A_206 : vector<16xf32>
      %get3A_208 = arith.index_cast %scan3A_150 : i32 to index
      %get3A_209 = arith.constant 48 : index
      %get3A_210 = tpu.vector_load %arg7[%get3A_208, %get3A_209] {strides = array<i32>} : memref<128x128xf32, #tpu.memory_space<vmem>>, vector<1x16xf32>,
      %get3A_211 = vector.shape_cast %get3A_210 : vector<1x16xf32> to vector<16xf32>
      %add3A_212 = arith.addf %mul3A_207, %get3A_211 : vector<16xf32>
      %swap3A_213 = arith.index_cast %scan3A_150 : i32 to index
      %swap3A_214 = arith.constant 48 : index
      %swap3A_215 = tpu.vector_load %arg11[%swap3A_213, %swap3A_214] {strides = array<i32>} : memref<128x128xf32, #tpu.memory_space<vmem>>, vector<1x16xf32>,
      %swap3A_216 = vector.shape_cast %swap3A_215 : vector<1x16xf32> to vector<16xf32>
      %swap3A_217 = vector.shape_cast %add3A_212 : vector<16xf32> to vector<1x16xf32>
      tpu.vector_store %arg11[%swap3A_213, %swap3A_214], %swap3A_217 {strides = array<i32>} : memref<128x128xf32, #tpu.memory_space<vmem>>, vector<1x16xf32>,
      %get3A_218 = arith.index_cast %scan3A_150 : i32 to index
      %get3A_219 = arith.constant 64 : index
      %get3A_220 = tpu.vector_load %arg11[%get3A_218, %get3A_219] {strides = array<i32>} : memref<128x128xf32, #tpu.memory_space<vmem>>, vector<1x16xf32>,
      %get3A_221 = vector.shape_cast %get3A_220 : vector<1x16xf32> to vector<16xf32>
      %mul3A_222 = arith.constant 11.3137083 : f32
      %mul3A_223 = vector.broadcast %mul3A_222 : f32 to vector<16xf32>
      %mul3A_224 = arith.mulf %get3A_221, %mul3A_223 : vector<16xf32>
      %get3A_225 = arith.index_cast %scan3A_150 : i32 to index
      %get3A_226 = arith.constant 64 : index
      %get3A_227 = tpu.vector_load %arg7[%get3A_225, %get3A_226] {strides = array<i32>} : memref<128x128xf32, #tpu.memory_space<vmem>>, vector<1x16xf32>,
      %get3A_228 = vector.shape_cast %get3A_227 : vector<1x16xf32> to vector<16xf32>
      %add3A_229 = arith.addf %mul3A_224, %get3A_228 : vector<16xf32>
      %swap3A_230 = arith.index_cast %scan3A_150 : i32 to index
      %swap3A_231 = arith.constant 64 : index
      %swap3A_232 = tpu.vector_load %arg11[%swap3A_230, %swap3A_231] {strides = array<i32>} : memref<128x128xf32, #tpu.memory_space<vmem>>, vector<1x16xf32>,
      %swap3A_233 = vector.shape_cast %swap3A_232 : vector<1x16xf32> to vector<16xf32>
      %swap3A_234 = vector.shape_cast %add3A_229 : vector<16xf32> to vector<1x16xf32>
      tpu.vector_store %arg11[%swap3A_230, %swap3A_231], %swap3A_234 {strides = array<i32>} : memref<128x128xf32, #tpu.memory_space<vmem>>, vector<1x16xf32>,
      %get3A_235 = arith.index_cast %scan3A_150 : i32 to index
      %get3A_236 = arith.constant 80 : index
      %get3A_237 = tpu.vector_load %arg11[%get3A_235, %get3A_236] {strides = array<i32>} : memref<128x128xf32, #tpu.memory_space<vmem>>, vector<1x16xf32>,
      %get3A_238 = vector.shape_cast %get3A_237 : vector<1x16xf32> to vector<16xf32>
      %mul3A_239 = arith.constant 11.3137083 : f32
      %mul3A_240 = vector.broadcast %mul3A_239 : f32 to vector<16xf32>
      %mul3A_241 = arith.mulf %get3A_238, %mul3A_240 : vector<16xf32>
      %get3A_242 = arith.index_cast %scan3A_150 : i32 to index
      %get3A_243 = arith.constant 80 : index
      %get3A_244 = tpu.vector_load %arg7[%get3A_242, %get3A_243] {strides = array<i32>} : memref<128x128xf32, #tpu.memory_space<vmem>>, vector<1x16xf32>,
      %get3A_245 = vector.shape_cast %get3A_244 : vector<1x16xf32> to vector<16xf32>
      %add3A_246 = arith.addf %mul3A_241, %get3A_245 : vector<16xf32>
      %swap3A_247 = arith.index_cast %scan3A_150 : i32 to index
      %swap3A_248 = arith.constant 80 : index
      %swap3A_249 = tpu.vector_load %arg11[%swap3A_247, %swap3A_248] {strides = array<i32>} : memref<128x128xf32, #tpu.memory_space<vmem>>, vector<1x16xf32>,
      %swap3A_250 = vector.shape_cast %swap3A_249 : vector<1x16xf32> to vector<16xf32>
      %swap3A_251 = vector.shape_cast %add3A_246 : vector<16xf32> to vector<1x16xf32>
      tpu.vector_store %arg11[%swap3A_247, %swap3A_248], %swap3A_251 {strides = array<i32>} : memref<128x128xf32, #tpu.memory_space<vmem>>, vector<1x16xf32>,
      %get3A_252 = arith.index_cast %scan3A_150 : i32 to index
      %get3A_253 = arith.constant 96 : index
      %get3A_254 = tpu.vector_load %arg11[%get3A_252, %get3A_253] {strides = array<i32>} : memref<128x128xf32, #tpu.memory_space<vmem>>, vector<1x16xf32>,
      %get3A_255 = vector.shape_cast %get3A_254 : vector<1x16xf32> to vector<16xf32>
      %mul3A_256 = arith.constant 11.3137083 : f32
      %mul3A_257 = vector.broadcast %mul3A_256 : f32 to vector<16xf32>
      %mul3A_258 = arith.mulf %get3A_255, %mul3A_257 : vector<16xf32>
      %get3A_259 = arith.index_cast %scan3A_150 : i32 to index
      %get3A_260 = arith.constant 96 : index
      %get3A_261 = tpu.vector_load %arg7[%get3A_259, %get3A_260] {strides = array<i32>} : memref<128x128xf32, #tpu.memory_space<vmem>>, vector<1x16xf32>,
      %get3A_262 = vector.shape_cast %get3A_261 : vector<1x16xf32> to vector<16xf32>
      %add3A_263 = arith.addf %mul3A_258, %get3A_262 : vector<16xf32>
      %swap3A_264 = arith.index_cast %scan3A_150 : i32 to index
      %swap3A_265 = arith.constant 96 : index
      %swap3A_266 = tpu.vector_load %arg11[%swap3A_264, %swap3A_265] {strides = array<i32>} : memref<128x128xf32, #tpu.memory_space<vmem>>, vector<1x16xf32>,
      %swap3A_267 = vector.shape_cast %swap3A_266 : vector<1x16xf32> to vector<16xf32>
      %swap3A_268 = vector.shape_cast %add3A_263 : vector<16xf32> to vector<1x16xf32>
      tpu.vector_store %arg11[%swap3A_264, %swap3A_265], %swap3A_268 {strides = array<i32>} : memref<128x128xf32, #tpu.memory_space<vmem>>, vector<1x16xf32>,
      %get3A_269 = arith.index_cast %scan3A_150 : i32 to index
      %get3A_270 = arith.constant 112 : index
      %get3A_271 = tpu.vector_load %arg11[%get3A_269, %get3A_270] {strides = array<i32>} : memref<128x128xf32, #tpu.memory_space<vmem>>, vector<1x16xf32>,
      %get3A_272 = vector.shape_cast %get3A_271 : vector<1x16xf32> to vector<16xf32>
      %mul3A_273 = arith.constant 11.3137083 : f32
      %mul3A_274 = vector.broadcast %mul3A_273 : f32 to vector<16xf32>
      %mul3A_275 = arith.mulf %get3A_272, %mul3A_274 : vector<16xf32>
      %get3A_276 = arith.index_cast %scan3A_150 : i32 to index
      %get3A_277 = arith.constant 112 : index
      %get3A_278 = tpu.vector_load %arg7[%get3A_276, %get3A_277] {strides = array<i32>} : memref<128x128xf32, #tpu.memory_space<vmem>>, vector<1x16xf32>,
      %get3A_279 = vector.shape_cast %get3A_278 : vector<1x16xf32> to vector<16xf32>
      %add3A_280 = arith.addf %mul3A_275, %get3A_279 : vector<16xf32>
      %swap3A_281 = arith.index_cast %scan3A_150 : i32 to index
      %swap3A_282 = arith.constant 112 : index
      %swap3A_283 = tpu.vector_load %arg11[%swap3A_281, %swap3A_282] {strides = array<i32>} : memref<128x128xf32, #tpu.memory_space<vmem>>, vector<1x16xf32>,
      %swap3A_284 = vector.shape_cast %swap3A_283 : vector<1x16xf32> to vector<16xf32>
      %swap3A_285 = vector.shape_cast %add3A_280 : vector<16xf32> to vector<1x16xf32>
      tpu.vector_store %arg11[%swap3A_281, %swap3A_282], %swap3A_285 {strides = array<i32>} : memref<128x128xf32, #tpu.memory_space<vmem>>, vector<1x16xf32>,
      %scan3A_286 = arith.constant 0 : i32
      scf.yield %scan3A_286 : i32
    }
    %scan3A_125 = arith.constant 128 : i32
    %mul3A_126 = arith.constant 128 : i32
    %mul3A_127 = arith.muli %add3A, %mul3A_126 : i32
    %add3A_128 = arith.constant 12288 : i32
    %add3A_129 = arith.addi %add3A_128, %mul3A_127 : i32
    %dma_start3A_130 = arith.constant 0 : i32
    %dma_start3A_131 = tpu.memref_slice %arg5[%add3A_129, %dma_start3A_130] : memref<16384x128xf32, #tpu.memory_space<hbm>> -> memref<128x128xf32, #tpu.memory_space<hbm>>
    %dma_start3A_132 = arith.constant 0 : i32
    %dma_start3A_133 = tpu.memref_slice %arg5[%add3A_129, %dma_start3A_132] : memref<16384x128xf32, #tpu.memory_space<hbm>> -> memref<128x128xf32, #tpu.memory_space<hbm>>
    tpu.enqueue_dma source(%arg11 : memref<128x128xf32, #tpu.memory_space<vmem>>) target(%dma_start3A_133 : memref<128x128xf32, #tpu.memory_space<hbm>>) target_semaphore(%arg21 : memref<!tpu.dma_semaphore, #tpu.memory_space<semaphore_mem>>)
    %dma_wait3A_134 = arith.constant 0 : i32
    %dma_wait3A_135 = tpu.memref_slice %arg5[%add3A_63, %dma_wait3A_134] : memref<16384x128xf32, #tpu.memory_space<hbm>> -> memref<128x128xf32, #tpu.memory_space<hbm>>
    %dma_wait3A_136 = arith.constant 0 : i32
    %dma_wait3A_137 = tpu.memref_slice %arg5[%add3A_63, %dma_wait3A_136] : memref<16384x128xf32, #tpu.memory_space<hbm>> -> memref<128x128xf32, #tpu.memory_space<hbm>>
    tpu.wait_dma2 semaphore(%arg18 : memref<!tpu.dma_semaphore, #tpu.memory_space<semaphore_mem>>) src(%arg8 : memref<128x128xf32, #tpu.memory_space<vmem>>) dst(%dma_wait3A_137 : memref<128x128xf32, #tpu.memory_space<hbm>>)
    %dma_wait3A_138 = arith.constant 0 : i32
    %dma_wait3A_139 = tpu.memref_slice %arg5[%add3A_85, %dma_wait3A_138] : memref<16384x128xf32, #tpu.memory_space<hbm>> -> memref<128x128xf32, #tpu.memory_space<hbm>>
    %dma_wait3A_140 = arith.constant 0 : i32
    %dma_wait3A_141 = tpu.memref_slice %arg5[%add3A_85, %dma_wait3A_140] : memref<16384x128xf32, #tpu.memory_space<hbm>> -> memref<128x128xf32, #tpu.memory_space<hbm>>
    tpu.wait_dma2 semaphore(%arg19 : memref<!tpu.dma_semaphore, #tpu.memory_space<semaphore_mem>>) src(%arg9 : memref<128x128xf32, #tpu.memory_space<vmem>>) dst(%dma_wait3A_141 : memref<128x128xf32, #tpu.memory_space<hbm>>)
    %dma_wait3A_142 = arith.constant 0 : i32
    %dma_wait3A_143 = tpu.memref_slice %arg5[%add3A_107, %dma_wait3A_142] : memref<16384x128xf32, #tpu.memory_space<hbm>> -> memref<128x128xf32, #tpu.memory_space<hbm>>
    %dma_wait3A_144 = arith.constant 0 : i32
    %dma_wait3A_145 = tpu.memref_slice %arg5[%add3A_107, %dma_wait3A_144] : memref<16384x128xf32, #tpu.memory_space<hbm>> -> memref<128x128xf32, #tpu.memory_space<hbm>>
    tpu.wait_dma2 semaphore(%arg20 : memref<!tpu.dma_semaphore, #tpu.memory_space<semaphore_mem>>) src(%arg10 : memref<128x128xf32, #tpu.memory_space<vmem>>) dst(%dma_wait3A_145 : memref<128x128xf32, #tpu.memory_space<hbm>>)
    %dma_wait3A_146 = arith.constant 0 : i32
    %dma_wait3A_147 = tpu.memref_slice %arg5[%add3A_129, %dma_wait3A_146] : memref<16384x128xf32, #tpu.memory_space<hbm>> -> memref<128x128xf32, #tpu.memory_space<hbm>>
    %dma_wait3A_148 = arith.constant 0 : i32
    %dma_wait3A_149 = tpu.memref_slice %arg5[%add3A_129, %dma_wait3A_148] : memref<16384x128xf32, #tpu.memory_space<hbm>> -> memref<128x128xf32, #tpu.memory_space<hbm>>
    tpu.wait_dma2 semaphore(%arg21 : memref<!tpu.dma_semaphore, #tpu.memory_space<semaphore_mem>>) src(%arg11 : memref<128x128xf32, #tpu.memory_space<vmem>>) dst(%dma_wait3A_149 : memref<128x128xf32, #tpu.memory_space<hbm>>)
    return
  }
}

</mosaic_0001>

<sc_bundles>
// kernel: kernel.3.cloned.1.call-start
scs
__scs_entry_jumppad:
0x0: {  	(pc) =	sbr.rel $0x88, $3  }
0x1: {  	(tag) =	ssettag $0x0;
	lr =	simm.s32 $0x1  }
0x2: {  	[smem:$0x3F9E] =	sst lr;
	_ =	strace $0xD0000000  }
0x3: {  	_ = 	snop  }
0x4: {  	_ = 	snop  }
0x5: {  	_ = 	snop  }
0x6: {  	_ = 	snop  }
0x7: {  	_ = 	snop  }
__scs_overlays_trampoline_lowered:
0x8: {  	[smem:$0x3FAD] =	sst s0  }
0x9: {  	[smem:$0x3FAE] =	sst s1  }
0xa: {  	[smem:$0x3FAF] =	sst s2  }
0xb: {  	[smem:$0x3FB0] =	sst s3  }
0xc: {  	[smem:$0x3FB1] =	sst s4  }
0xd: {  	[smem:$0x3FB2] =	sst s5  }
0xe: {  	[smem:$0x3FB3] =	sst s6  }
0xf: {  	[smem:$0x3FB4] =	sst s7  }
0x10: {  	[smem:$0x3FB5] =	sst s8  }
0x11: {  	[smem:$0x3FB6] =	sst s9;
	s0 =	simm.s32 @!p0 $0x0  }
0x12: {  	s1 =	sld [smem:$0x3F9C];
	s0 =	simm.s32 @p0 $0x1  }
0x13: {  	[smem:$0x3FB7] =	sst s0;
	s0 =	simm.s32 @!p1 $0x0  }
0x14: {  	s2 =	sld [smem:$0x3F9B];
	s0 =	simm.s32 @p1 $0x1  }
0x15: {  	[smem:$0x3FB8] =	sst s0;
	s0 =	simm.s32 @!p2 $0x0  }
0x16: {  	s3 =	sld [smem:$0x3FDB];
	s0 =	simm.s32 @p2 $0x1  }
0x17: {  	s4 =	simm.s32 $0x1BF5;
	[smem:$0x3FBA] =	sst s0  }
0x18: {  	s0 =	sld [smem:$0x3F9D];
	_ =	swait.ge [sflag:s4], $0x0  }
0x19: {  	s7 =	sld [smem:$0x3F9E]  }
0x1a: {  	s8 =	sadd.s32 $0xFFFFE003, lr  }
0x1b: {  	s9 =	sadd.s32 $0xFFFFFEF7, lr;
	s5 =	simm.s32 $0xFFFFFFFF;
	p2 =	slt.u32 s8, $0xFFFFF086  }
0x1c: {  	p1 =	slt.u32 s9, $0xF7A;
	s5 =	simm.s32 @!p2 $0x0  }
0x1d: {  	s5 =	simm.s32 @p1 $0x1;
	p0 =	seq.s32 s7, s2  }
0x1e: {  	s7 =	smul.u32 @!p0 $0xF7A, s2;
	p2 =	seq.s32 @!p0 s5, $0x0  }
0x1f: {  	s9 =	smul.u32 $0xF7A, s1;
	s8 =	simm.s32 @!p0 $0x1BF5;
	p2 =	por !p2, p0  }
0x20: {  	[sflag:s8] =	ssyncset.s32 @!p0 $0xFFFFF086;
	s6 =	sadd.s32 @!p0 s3, s7;
	s7 =	simm.s32 @!p0 $0x108  }
0x21: {  	s3 =	sadd.s32 s3, s9;
	s6 =	sadd.s32 @!p0 $0x88, s6;
	s7 =	simm.s32 @p2 $0x1082  }
0x22: {  	[simem:s7], [sflag:s8] =	dma.local @!p0 [hbm:s6], $0xF7A  }
0x23: {  	s9 =	sor.u32 $0xD0000000, s2;
	s6 =	simm.s32 $0x108;
	_ =	swait.ge @!p0 [sflag:s8], $0x0  }
0x24: {  	s3 =	sadd.s32 $0x88, s3;
	s6 =	simm.s32 @!p1 $0x1082;
	[sflag:s4] =	ssyncset.s32 $0xFFFFF086  }
0x25: {  	[simem:s6], [sflag:s4] =	dma.local [hbm:s3], $0xF7A  }
0x26: {  	[smem:$0x3F9E] =	sst s1;
	(tag) =	ssettag s2;
	_ =	strace s9  }
0x27: {  	s1 =	sld [smem:$0x3FAE]  }
0x28: {  	s2 =	sld [smem:$0x3FAF]  }
0x29: {  	s4 =	sld [smem:$0x3FB1]  }
0x2a: {  	p0 =	seq.s32 s5, $0x0;
	s5 =	sld [smem:$0x3FB2]  }
0x2b: {  	s6 =	sld [smem:$0x3FB3]  }
0x2c: {  	s7 =	sld [smem:$0x3FB4]  }
0x2d: {  	s3 =	simm.s32 $0x108;
	s8 =	sld [smem:$0x3FB5]  }
0x2e: {  	s3 =	simm.s32 @!p0 $0x1082;
	s9 =	sld [smem:$0x3FB6]  }
0x2f: {  	lr =	sadd.s32 s0, s3;
	s0 =	sld [smem:$0x3FAD]  }
0x30: {  	s3 =	sld [smem:$0x3FB0]  }
0x31: {  	[smem:$0x3FB9] =	sst s10  }
0x32: {  	s10 =	sld [smem:$0x3FB7];
	_ =	sdelay $0x3  }
0x33: {  	p0 =	seq.s32 s10, $0x1;
	s10 =	sld [smem:$0x3FB9];
	_ =	sdelay $0x3  }
0x34: {  	[smem:$0x3FB9] =	sst s10  }
0x35: {  	s10 =	sld [smem:$0x3FB8];
	_ =	sdelay $0x3  }
0x36: {  	p1 =	seq.s32 s10, $0x1;
	s10 =	sld [smem:$0x3FB9];
	_ =	sdelay $0x3  }
0x37: {  	[smem:$0x3FB9] =	sst s10  }
0x38: {  	s10 =	sld [smem:$0x3FBA]  }
0x39: {  	_ = 	snop;
	(pc) =	sbr.ind lr, $3  }
0x3a: {  	_ = 	snop  }
0x3b: {  	_ = 	snop  }
0x3c: {  	p2 =	seq.s32 s10, $0x1;
	s10 =	sld [smem:$0x3FB9]  }
0x3d: {  	_ =	shalt  }
0x3e: {  	_ =	shalt  }
0x3f: {  	_ =	shalt  }
0x40: {  	_ =	shalt  }
0x41: {  	_ =	shalt  }
0x42: {  	_ =	shalt  }
0x43: {  	_ =	shalt  }
0x44: {  	_ =	shalt  }
0x45: {  	_ =	shalt  }
0x46: {  	_ =	shalt  }
0x47: {  	_ =	shalt  }
0x48: {  	_ =	shalt  }
0x49: {  	_ =	shalt  }
0x4a: {  	_ =	shalt  }
0x4b: {  	_ =	shalt  }
0x4c: {  	_ =	shalt  }
0x4d: {  	_ =	shalt  }
0x4e: {  	_ =	shalt  }
0x4f: {  	_ =	shalt  }
0x50: {  	_ =	shalt  }
0x51: {  	_ =	shalt  }
0x52: {  	_ =	shalt  }
0x53: {  	_ =	shalt  }
0x54: {  	_ =	shalt  }
0x55: {  	_ =	shalt  }
0x56: {  	_ =	shalt  }
0x57: {  	_ =	shalt  }
0x58: {  	_ =	shalt  }
0x59: {  	_ =	shalt  }
0x5a: {  	_ =	shalt  }
0x5b: {  	_ =	shalt  }
0x5c: {  	_ =	shalt  }
0x5d: {  	_ =	shalt  }
0x5e: {  	_ =	shalt  }
0x5f: {  	_ =	shalt  }
0x60: {  	_ =	shalt  }
0x61: {  	_ =	shalt  }
0x62: {  	_ =	shalt  }
0x63: {  	_ =	shalt  }
0x64: {  	_ =	shalt  }
0x65: {  	_ =	shalt  }
0x66: {  	_ =	shalt  }
0x67: {  	_ =	shalt  }
0x68: {  	_ =	shalt  }
0x69: {  	_ =	shalt  }
0x6a: {  	_ =	shalt  }
0x6b: {  	_ =	shalt  }
0x6c: {  	_ =	shalt  }
0x6d: {  	_ =	shalt  }
0x6e: {  	_ =	shalt  }
0x6f: {  	_ =	shalt  }
0x70: {  	_ =	shalt  }
0x71: {  	_ =	shalt  }
0x72: {  	_ =	shalt  }
0x73: {  	_ =	shalt  }
0x74: {  	_ =	shalt  }
0x75: {  	_ =	shalt  }
0x76: {  	_ =	shalt  }
0x77: {  	_ =	shalt  }
0x78: {  	_ =	shalt  }
0x79: {  	_ =	shalt  }
0x7a: {  	_ =	shalt  }
0x7b: {  	_ =	shalt  }
0x7c: {  	_ =	shalt  }
0x7d: {  	_ =	shalt  }
0x7e: {  	_ =	shalt  }
0x7f: {  	_ =	shalt  }
0x80: {  	_ =	shalt  }
0x81: {  	_ =	shalt  }
0x82: {  	_ =	shalt  }
0x83: {  	_ =	shalt  }
0x84: {  	_ =	shalt  }
0x85: {  	_ =	shalt  }
0x86: {  	_ =	shalt  }
0x87: {  	_ =	shalt  }
.Lfunc_end0:
.L_simem_size_0:
called_computation_lowered:
.L_overlay_start_0:
0x88: {  	s2 =	sld [smem:$0x3FD9]  }
0x89: {  	s3 =	sld [smem:$0x3FFE];
	_ =	sdelay $0x1  }
0x8a: {  	s1 =	srdreg.scid  }
0x8b: {  	s0 =	sand.u32 $0x1, s1  }
0x8c: {  	s18 =	sshll.u32 s0, $0xA;
	s2 =	sadd.s32 s3, s2  }
0x8d: {  	s2 =	sadd.s32 s2, s18  }
0x8e: {  	[smem:$0x3FC5] =	sst s2  }
0x8f: {  	_ = 	snop  }
0x90: {  	s2 =	sld [smem:$0x3FC9]  }
0x91: {  	s19 =	sld [smem:$0x3FC8]  }
0x92: {  	s4 =	sld [smem:$0x3FC7]  }
0x93: {  	s5 =	sld [smem:$0x3FD0];
	(tm) =	ssettm $0x1  }
0x94: {  	s6 =	sld [smem:$0x3FFB];
	_ =	sdelay $0x3  }
0x95: {  	_ =	strace s6  }
0x96: {  	s6 =	sld [smem:$0x3FFC];
	_ =	sdelay $0x3  }
0x97: {  	_ =	strace s6  }
0x98: {  	s6 =	sld [smem:$0x3FFD];
	_ =	sdelay $0x3  }
0x99: {  	_ =	strace s6  }
0x9a: {  	_ =	strace $0x8FFFFFFF  }
0x9b: {  	s20 =	sld [smem:$0x3FDB];
	_ =	sdelay $0x1  }
0x9c: {  	s7 =	simm.s32 $_scs_section_size  }
0x9d: {  	s8 =	simm.s32 $_size__tile_overlayer_lowered;
	s9 =	simm.s32 $_tile_overlayer_lowered  }
0x9e: {  	s23 =	simm.s32 $0x1BFF;
	s22 =	sshll.u32 s9, $0x1;
	s6 =	sadd.s32 s7, s20  }
0x9f: {  	s10 =	simm.s32 $0x0;
	s21 =	sshll.u32 s8, $0x1;
	s8 =	sadd.s32 s22, s6  }
0xa0: {  	[timem:s10], [sflag:s23] =	dma.local [hbm:s8], s21  }
0xa1: {  	_ =	swait.ge [sflag:s23], s21  }
0xa2: {  	s7 =	ssub.s32 $0x0, s21;
	[sflag:s23] =	ssyncset.done $0x0  }
0xa3: {  	[sflag:s23] =	ssyncadd.s32 s7;
	_ =	sdelay $0x1  }
0xa4: {  	s24 =	simm.s32 $0x1B8B  }
0xa5: {  	_ =	swait.ge [sflag:s24], $0x1  }
0xa6: {  	[sflag:s24] =	ssyncset.done $0x0  }
0xa7: {  	s25 =	simm.s32 $0x1B8E;
	[sflag:s24] =	ssyncadd.s32 $0xFFFFFFFF  }
0xa8: {  	s26 =	simm.s32 $execute0_lowered;
	[smem:$0x3FD2] =	sst s25  }
0xa9: {  	s7 =	sshll.u32 s26, $0x1;
	_ =	strace $0x80000046;
	[dreg:$0x1] =	wrdreg $0xFFFFFFFF  }
0xaa: {  	s28 =	simm.s32 $_size_execute0_lowered;
	s6 =	sadd.s32 s6, s7;
	[dreg:$0x0] =	wrdreg $0x0  }
0xab: {  	s7 =	sshll.u32 s28, $0x1;
	[dreg:$0x2] =	wrdreg s6  }
0xac: {  	[dreg:$0x3] =	wrdreg s7  }
0xad: {  	[dreg:$0x4] =	wrdreg $0xC0  }
0xae: {  	_ =	task [dreg:s10], $0x5FFFF  }
0xaf: {  	[dreg:$0x1] =	wrdreg $0xFFFFFFFF  }
0xb0: {  	[dreg:$0x0] =	wrdreg $0x60  }
0xb1: {  	[dreg:$0x2] =	wrdreg s2  }
0xb2: {  	[dreg:$0x3] =	wrdreg s19  }
0xb3: {  	[dreg:$0x4] =	wrdreg s4  }
0xb4: {  	[dreg:$0x5] =	wrdreg s5  }
0xb5: {  	[dreg:$0x6] =	wrdreg $0x9  }
0xb6: {  	_ =	task.clear_ibuf [dreg:s10], $0x7FFFF;
	_ =	strace $0x90000046  }
0xb7: {  	s29 =	simm.s32 $0x9;
	_ =	strace $0x80000048  }
0xb8: {  	_ =	swait.ge [sflag:s29], $0x1  }
0xb9: {  	[sflag:s29] =	ssyncadd.s32 $0xFFFFFFFF  }
0xba: {  	_ =	strace $0x90000048  }
0xbb: {  	_ =	sfence  }
0xbc: {  	s30 =	sld [smem:$0x0];
	_ =	sdelay $0x2  }
0xbd: {  	s31 =	sshll.u32 s1, $0xD;
	s1 =	sshrl.u32 s1, $0x2  }
0xbe: {  	s3 =	sand.u32 $0x4000, s31;
	s1 =	sadd.s32 s1, s30  }
0xbf: {  	s0 =	sor.u32 s3, s0;
	s1 =	sshll.u32 s1, $0x11  }
0xc0: {  	s0 =	sor.u32 s1, s0  }
0xc1: {  	s0 =	sadd.s32 $0x8F2B, s0  }
0xc2: {  	[sflag:s0] =	ssyncadd.remote.s32 $0x1  }
0xc3: {  	_ =	sfence.sel $0xFFFF  }
0xc4: {  	[dreg:$0x0] =	wrdreg $0xFFFFFFFF;
	(pc) =	sbr.abs _section_cstart, $3  }
0xc5: {  	[dreg:$0x1] =	wrdreg $0xFFFFFFFF  }
0xc6: {  	_ =	task.clear_ibuf [dreg:s10], $0x2FFFF;
	_ =	strace $0x9FFFFFFF  }
0xc7: {  	(tm) =	ssettm $0x7FFFFFFF  }
tec
execute0_lowered:
.L_overlay_start_1:
0x0: {  	(tag) =	ssettag $0x1  }
0x1: {  	s0 =	rddreg [dreg:$0x0]  }
0x2: {  	s1 =	rddreg [dreg:$0x1]  }
0x3: {  	s4 =	rddreg [dreg:$0x2]  }
0x4: {  	s5 =	rddreg [dreg:$0x3];
	s6 =	srdreg.scid  }
0x5: {  	s3 =	simm.s32 $0x0;
	s2 =	stileid.u32;
	s11 =	simm.s32 $0x200  }
0x6: {  	s12 =	simm.s32 $0x1;
	s13 =	simm.s32 $0x80;
	s14 =	simm.s32 $0x4200  }
0x7: {  	s15 =	simm.s32 $0x8200;
	s16 =	simm.s32 $0x100;
	s17 =	simm.s32 $0xC200  }
0x8: {  	s18 =	simm.s32 $0x180;
	s19 =	simm.s32 $0x10200;
	s20 =	simm.s32 $0x2  }
0x9: {  	s21 =	simm.s32 $0x3;
	s22 =	simm.s32 $0x4;
	s23 =	simm.s32 $0x5  }
0xa: {  	s24 =	simm.s32 $0x6;
	s25 =	simm.s32 $0x7;
	s26 =	simm.s32 $0x8  }
0xb: {  	s28 =	simm.s32 $0x9;
	s29 =	simm.s32 $0xA;
	s6 =	sand.u32 $0x1, s6  }
0xc: {  	s8 =	sshll.u32 s2, $0x8;
	s7 =	ssub.s32 $0x2, s6;
	s6 =	sshll.u32 s6, $0x7  }
0xd: {  	s30 =	simm.s32 $0x0;
	[smem:$0x7FF] =	sst s3;
	s6 =	sor.u32 s6, s8  }
0xe: {  	_ =	strace $0x80000047;
	s9 =	sshrl.u32 s7, $0x1;
	s31 =	sshll.u32 s6, $0x4  }
0xf: {  	s10 =	ssub.s32 s7, s9;
	s6 =	sshrl.u32 s6, $0x1;
	s4 =	sadd.s32 s4, s31  }
0x10: {  	s5 =	sadd.s32 s5, s31;
	s6 =	sadd.s32 s0, s6;
	s10 =	smax.u32 s10, $0x1  }
0x11: {  	s7 =	sadd.s32 $0x10000, s5;
	s8 =	sadd.s32 $0x20000, s5;
	s9 =	sadd.s32 $0x30000, s5  }
.LBB2_1:
0x12: {  	[tilespmem:s11], [sflag:$0x2] =	stream.linear.gather [hbm4b:s4+s3], $0x4000, $0x38;
	[tilespmem:$0x14200] =	vst v63  }
0x13: {  	_ = 	snop  }
0x14: {  	[tilespmem:s3], [sflag:$0x1] =	stream.linear.gather [hbm4b:s6+s3], $0x200, $0x38;
	[tilespmem:$0x14200] =	vst v63  }
0x15: {  	_ =	swait.ge [sflag:s12], $0x200  }
0x16: {  	[sflag:s12] =	ssyncset.done $0x0  }
0x17: {  	[sflag:s12] =	ssyncadd.s32 $0xFFFFFE00  }
0x18: {  	[tilespmem:s14], [sflag:$0x3] =	stream.indirect.gather [hbm4b:s1+s13], $0x80, s3, s13, $0xb8;
	[tilespmem:$0x14200] =	vst v63  }
0x19: {  	_ = 	snop  }
0x1a: {  	[tilespmem:s15], [sflag:$0x4] =	stream.indirect.gather [hbm4b:s1+s13], $0x80, s13, s13, $0xb8;
	[tilespmem:$0x14200] =	vst v63  }
0x1b: {  	_ = 	snop  }
0x1c: {  	[tilespmem:s17], [sflag:$0x5] =	stream.indirect.gather [hbm4b:s1+s13], $0x80, s16, s13, $0xb8;
	[tilespmem:$0x14200] =	vst v63  }
0x1d: {  	_ = 	snop  }
0x1e: {  	[tilespmem:s19], [sflag:$0x6] =	stream.indirect.gather [hbm4b:s1+s13], $0x80, s18, s13, $0xb8;
	[tilespmem:$0x14200] =	vst v63  }
0x1f: {  	_ =	swait.ge [sflag:s20], $0x4000  }
0x20: {  	[sflag:s20] =	ssyncset.done $0x0  }
0x21: {  	[sflag:s20] =	ssyncadd.s32 $0xFFFFC000  }
0x22: {  	_ =	swait.ge [sflag:s21], $0x4000  }
0x23: {  	[sflag:s21] =	ssyncset.done $0x0  }
0x24: {  	s31 =	simm.s32 $0x0;
	[sflag:s21] =	ssyncadd.s32 $0xFFFFC000  }
0x25: {  	v5 =	vld [tilespmem:s31+$0x200]  }
0x26: {  	v4 =	vld [tilespmem:s31+$0x210]  }
0x27: {  	v3 =	vld [tilespmem:s31+$0x220]  }
0x28: {  	v2 =	vld [tilespmem:s31+$0x230]  }
0x29: {  	v1 =	vld [tilespmem:s31+$0x240]  }
0x2a: {  	v0 =	vld [tilespmem:s31+$0x250]  }
0x2b: {  	v6 =	vld [tilespmem:s31+$0x4200]  }
0x2c: {  	v11 =	vld [tilespmem:s31+$0x4210]  }
0x2d: {  	v10 =	vld [tilespmem:s31+$0x4220]  }
0x2e: {  	v9 =	vld [tilespmem:s31+$0x4230]  }
0x2f: {  	v8 =	vld [tilespmem:s31+$0x4240]  }
0x30: {  	v7 =	vld [tilespmem:s31+$0x4250];
	v12 =	vmul.f32 $1.131370830e+01, v6  }
0x31: {  	s0 =	simm.s32 $0x200;
	v11 =	vmul.f32 $1.131370830e+01, v11;
	v6 =	vld [tilespmem:s31+$0x4260]  }
.LBB2_2:
0x32: {  	p0 =	sne.s32 s0, $0xFE00;
	v5 =	vadd.f32 v5, v12;
	v10 =	vmul.f32 $1.131370830e+01, v10;
	v12 =	vld [tilespmem:s31+$0x4270]  }
0x33: {  	v4 =	vadd.f32 v4, v11;
	v9 =	vmul.f32 $1.131370830e+01, v9;
	v11 =	vld [tilespmem:s31+$0x260]  }
0x34: {  	s2 =	sshra.s32 s0, $0x2;
	[tilespmem:s31+$0x4200] =	vst v5;
	v3 =	vadd.f32 v3, v10;
	v8 =	vmul.f32 $1.131370830e+01, v8;
	v10 =	vld [tilespmem:s31+$0x270]  }
0x35: {  	v5 =	vld [tilespmem:s2+$0x200];
	[tilespmem:s31+$0x4210] =	vst v4;
	v2 =	vadd.f32 v2, v9;
	v7 =	vmul.f32 $1.131370830e+01, v7  }
0x36: {  	v4 =	vld [tilespmem:s2+$0x210];
	[tilespmem:s31+$0x4220] =	vst v3;
	v1 =	vadd.f32 v1, v8;
	v6 =	vmul.f32 $1.131370830e+01, v6  }
0x37: {  	v3 =	vld [tilespmem:s2+$0x220];
	[tilespmem:s31+$0x4230] =	vst v2;
	v0 =	vadd.f32 v0, v7;
	v7 =	vmul.f32 $1.131370830e+01, v12  }
0x38: {  	v2 =	vld [tilespmem:s2+$0x230];
	[tilespmem:s31+$0x4240] =	vst v1;
	v6 =	vadd.f32 v11, v6  }
0x39: {  	v1 =	vld [tilespmem:s2+$0x240];
	[tilespmem:s31+$0x4250] =	vst v0;
	v7 =	vadd.f32 v10, v7  }
0x3a: {  	v0 =	vld [tilespmem:s2+$0x250];
	[tilespmem:s31+$0x4260] =	vst v6  }
0x3b: {  	v6 =	vld [tilespmem:s2+$0x4200];
	[tilespmem:s31+$0x4270] =	vst v7;
	s31 =	smov.u32 s2  }
0x3c: {  	v11 =	vld [tilespmem:s31+$0x4210]  }
.Ltmp0:
0x3d: {  	v10 =	vld [tilespmem:s31+$0x4220];
	(pc) =	sbr.rel @p0 .LBB2_2-.Ltmp0, $4  }
0x3e: {  	v9 =	vld [tilespmem:s31+$0x4230]  }
0x3f: {  	v8 =	vld [tilespmem:s31+$0x4240]  }
0x40: {  	v12 =	vmul.f32 $1.131370830e+01, v6;
	v7 =	vld [tilespmem:s31+$0x4250]  }
0x41: {  	s0 =	sadd.s32 $0x200, s0;
	v11 =	vmul.f32 $1.131370830e+01, v11;
	v6 =	vld [tilespmem:s31+$0x4260]  }
0x42: {  	v5 =	vadd.f32 v5, v12;
	v12 =	vld [tilespmem:s31+$0x4270];
	v10 =	vmul.f32 $1.131370830e+01, v10  }
0x43: {  	v13 =	vld [tilespmem:s31+$0x260];
	v4 =	vadd.f32 v4, v11;
	v9 =	vmul.f32 $1.131370830e+01, v9  }
0x44: {  	[tilespmem:s31+$0x4200] =	vst v5;
	v3 =	vadd.f32 v3, v10;
	v5 =	vmul.f32 $1.131370830e+01, v8;
	v8 =	vld [tilespmem:s31+$0x270]  }
0x45: {  	[tilespmem:s31+$0x4210] =	vst v4;
	v2 =	vadd.f32 v2, v9;
	v4 =	vmul.f32 $1.131370830e+01, v7  }
0x46: {  	[tilespmem:s31+$0x4220] =	vst v3;
	v1 =	vadd.f32 v1, v5;
	v3 =	vmul.f32 $1.131370830e+01, v6  }
0x47: {  	[tilespmem:s31+$0x4230] =	vst v2;
	v0 =	vadd.f32 v0, v4;
	v2 =	vmul.f32 $1.131370830e+01, v12  }
0x48: {  	[tilespmem:s31+$0x4240] =	vst v1;
	v1 =	vadd.f32 v13, v3  }
0x49: {  	[tilespmem:s31+$0x4250] =	vst v0;
	v0 =	vadd.f32 v8, v2  }
0x4a: {  	[tilespmem:s31+$0x4260] =	vst v1  }
0x4b: {  	s0 =	simm.s32 $0x0;
	[tilespmem:s31+$0x4270] =	vst v0  }
0x4c: {  	[hbm4b:s5+s0] =	stream.linear.scatter [tilespmem:s14], [sflag:$0x7], $0x4000, $0x38;
	[tilespmem:$0x14200] =	vst v63  }
0x4d: {  	_ =	swait.ge [sflag:s22], $0x4000  }
0x4e: {  	[sflag:s22] =	ssyncset.done $0x0  }
0x4f: {  	s31 =	simm.s32 $0x0;
	[sflag:s22] =	ssyncadd.s32 $0xFFFFC000  }
0x50: {  	v5 =	vld [tilespmem:s31+$0x200]  }
0x51: {  	v4 =	vld [tilespmem:s31+$0x210]  }
0x52: {  	v3 =	vld [tilespmem:s31+$0x220]  }
0x53: {  	v2 =	vld [tilespmem:s31+$0x230]  }
0x54: {  	v1 =	vld [tilespmem:s31+$0x240]  }
0x55: {  	v0 =	vld [tilespmem:s31+$0x250]  }
0x56: {  	v6 =	vld [tilespmem:s31+$0x8200]  }
0x57: {  	v11 =	vld [tilespmem:s31+$0x8210]  }
0x58: {  	v10 =	vld [tilespmem:s31+$0x8220]  }
0x59: {  	v9 =	vld [tilespmem:s31+$0x8230]  }
0x5a: {  	v8 =	vld [tilespmem:s31+$0x8240]  }
0x5b: {  	v7 =	vld [tilespmem:s31+$0x8250];
	v12 =	vmul.f32 $1.131370830e+01, v6  }
0x5c: {  	s0 =	simm.s32 $0x200;
	v11 =	vmul.f32 $1.131370830e+01, v11;
	v6 =	vld [tilespmem:s31+$0x8260]  }
.LBB2_4:
0x5d: {  	p0 =	sne.s32 s0, $0xFE00;
	v5 =	vadd.f32 v5, v12;
	v10 =	vmul.f32 $1.131370830e+01, v10;
	v12 =	vld [tilespmem:s31+$0x8270]  }
0x5e: {  	v4 =	vadd.f32 v4, v11;
	v9 =	vmul.f32 $1.131370830e+01, v9;
	v11 =	vld [tilespmem:s31+$0x260]  }
0x5f: {  	s2 =	sshra.s32 s0, $0x2;
	[tilespmem:s31+$0x8200] =	vst v5;
	v3 =	vadd.f32 v3, v10;
	v8 =	vmul.f32 $1.131370830e+01, v8;
	v10 =	vld [tilespmem:s31+$0x270]  }
0x60: {  	v5 =	vld [tilespmem:s2+$0x200];
	[tilespmem:s31+$0x8210] =	vst v4;
	v2 =	vadd.f32 v2, v9;
	v7 =	vmul.f32 $1.131370830e+01, v7  }
0x61: {  	v4 =	vld [tilespmem:s2+$0x210];
	[tilespmem:s31+$0x8220] =	vst v3;
	v1 =	vadd.f32 v1, v8;
	v6 =	vmul.f32 $1.131370830e+01, v6  }
0x62: {  	v3 =	vld [tilespmem:s2+$0x220];
	[tilespmem:s31+$0x8230] =	vst v2;
	v0 =	vadd.f32 v0, v7;
	v7 =	vmul.f32 $1.131370830e+01, v12  }
0x63: {  	v2 =	vld [tilespmem:s2+$0x230];
	[tilespmem:s31+$0x8240] =	vst v1;
	v6 =	vadd.f32 v11, v6  }
0x64: {  	v1 =	vld [tilespmem:s2+$0x240];
	[tilespmem:s31+$0x8250] =	vst v0;
	v7 =	vadd.f32 v10, v7  }
0x65: {  	v0 =	vld [tilespmem:s2+$0x250];
	[tilespmem:s31+$0x8260] =	vst v6  }
0x66: {  	v6 =	vld [tilespmem:s2+$0x8200];
	[tilespmem:s31+$0x8270] =	vst v7;
	s31 =	smov.u32 s2  }
0x67: {  	v11 =	vld [tilespmem:s31+$0x8210]  }
.Ltmp1:
0x68: {  	v10 =	vld [tilespmem:s31+$0x8220];
	(pc) =	sbr.rel @p0 .LBB2_4-.Ltmp1, $4  }
0x69: {  	v9 =	vld [tilespmem:s31+$0x8230]  }
0x6a: {  	v8 =	vld [tilespmem:s31+$0x8240]  }
0x6b: {  	v12 =	vmul.f32 $1.131370830e+01, v6;
	v7 =	vld [tilespmem:s31+$0x8250]  }
0x6c: {  	s0 =	sadd.s32 $0x200, s0;
	v11 =	vmul.f32 $1.131370830e+01, v11;
	v6 =	vld [tilespmem:s31+$0x8260]  }
0x6d: {  	v5 =	vadd.f32 v5, v12;
	v12 =	vld [tilespmem:s31+$0x8270];
	v10 =	vmul.f32 $1.131370830e+01, v10  }
0x6e: {  	v13 =	vld [tilespmem:s31+$0x260];
	v4 =	vadd.f32 v4, v11;
	v9 =	vmul.f32 $1.131370830e+01, v9  }
0x6f: {  	[tilespmem:s31+$0x8200] =	vst v5;
	v3 =	vadd.f32 v3, v10;
	v5 =	vmul.f32 $1.131370830e+01, v8;
	v8 =	vld [tilespmem:s31+$0x270]  }
0x70: {  	[tilespmem:s31+$0x8210] =	vst v4;
	v2 =	vadd.f32 v2, v9;
	v4 =	vmul.f32 $1.131370830e+01, v7  }
0x71: {  	[tilespmem:s31+$0x8220] =	vst v3;
	v1 =	vadd.f32 v1, v5;
	v3 =	vmul.f32 $1.131370830e+01, v6  }
0x72: {  	[tilespmem:s31+$0x8230] =	vst v2;
	v0 =	vadd.f32 v0, v4;
	v2 =	vmul.f32 $1.131370830e+01, v12  }
0x73: {  	[tilespmem:s31+$0x8240] =	vst v1;
	v1 =	vadd.f32 v13, v3  }
0x74: {  	[tilespmem:s31+$0x8250] =	vst v0;
	v0 =	vadd.f32 v8, v2  }
0x75: {  	[tilespmem:s31+$0x8260] =	vst v1  }
0x76: {  	s0 =	simm.s32 $0x0;
	[tilespmem:s31+$0x8270] =	vst v0  }
0x77: {  	[hbm4b:s7+s0] =	stream.linear.scatter [tilespmem:s15], [sflag:$0x8], $0x4000, $0x38;
	[tilespmem:$0x14200] =	vst v63  }
0x78: {  	_ =	swait.ge [sflag:s23], $0x4000  }
0x79: {  	[sflag:s23] =	ssyncset.done $0x0  }
0x7a: {  	s31 =	simm.s32 $0x0;
	[sflag:s23] =	ssyncadd.s32 $0xFFFFC000  }
0x7b: {  	v5 =	vld [tilespmem:s31+$0x200]  }
0x7c: {  	v4 =	vld [tilespmem:s31+$0x210]  }
0x7d: {  	v3 =	vld [tilespmem:s31+$0x220]  }
0x7e: {  	v2 =	vld [tilespmem:s31+$0x230]  }
0x7f: {  	v1 =	vld [tilespmem:s31+$0x240]  }
0x80: {  	v0 =	vld [tilespmem:s31+$0x250]  }
0x81: {  	v6 =	vld [tilespmem:s31+$0xC200]  }
0x82: {  	v11 =	vld [tilespmem:s31+$0xC210]  }
0x83: {  	v10 =	vld [tilespmem:s31+$0xC220]  }
0x84: {  	v9 =	vld [tilespmem:s31+$0xC230]  }
0x85: {  	v8 =	vld [tilespmem:s31+$0xC240]  }
0x86: {  	v7 =	vld [tilespmem:s31+$0xC250];
	v12 =	vmul.f32 $1.131370830e+01, v6  }
0x87: {  	s0 =	simm.s32 $0x200;
	v11 =	vmul.f32 $1.131370830e+01, v11;
	v6 =	vld [tilespmem:s31+$0xC260]  }
.LBB2_6:
0x88: {  	p0 =	sne.s32 s0, $0xFE00;
	v5 =	vadd.f32 v5, v12;
	v10 =	vmul.f32 $1.131370830e+01, v10;
	v12 =	vld [tilespmem:s31+$0xC270]  }
0x89: {  	v4 =	vadd.f32 v4, v11;
	v9 =	vmul.f32 $1.131370830e+01, v9;
	v11 =	vld [tilespmem:s31+$0x260]  }
0x8a: {  	s2 =	sshra.s32 s0, $0x2;
	[tilespmem:s31+$0xC200] =	vst v5;
	v3 =	vadd.f32 v3, v10;
	v8 =	vmul.f32 $1.131370830e+01, v8;
	v10 =	vld [tilespmem:s31+$0x270]  }
0x8b: {  	v5 =	vld [tilespmem:s2+$0x200];
	[tilespmem:s31+$0xC210] =	vst v4;
	v2 =	vadd.f32 v2, v9;
	v7 =	vmul.f32 $1.131370830e+01, v7  }
0x8c: {  	v4 =	vld [tilespmem:s2+$0x210];
	[tilespmem:s31+$0xC220] =	vst v3;
	v1 =	vadd.f32 v1, v8;
	v6 =	vmul.f32 $1.131370830e+01, v6  }
0x8d: {  	v3 =	vld [tilespmem:s2+$0x220];
	[tilespmem:s31+$0xC230] =	vst v2;
	v0 =	vadd.f32 v0, v7;
	v7 =	vmul.f32 $1.131370830e+01, v12  }
0x8e: {  	v2 =	vld [tilespmem:s2+$0x230];
	[tilespmem:s31+$0xC240] =	vst v1;
	v6 =	vadd.f32 v11, v6  }
0x8f: {  	v1 =	vld [tilespmem:s2+$0x240];
	[tilespmem:s31+$0xC250] =	vst v0;
	v7 =	vadd.f32 v10, v7  }
0x90: {  	v0 =	vld [tilespmem:s2+$0x250];
	[tilespmem:s31+$0xC260] =	vst v6  }
0x91: {  	v6 =	vld [tilespmem:s2+$0xC200];
	[tilespmem:s31+$0xC270] =	vst v7;
	s31 =	smov.u32 s2  }
0x92: {  	v11 =	vld [tilespmem:s31+$0xC210]  }
.Ltmp2:
0x93: {  	v10 =	vld [tilespmem:s31+$0xC220];
	(pc) =	sbr.rel @p0 .LBB2_6-.Ltmp2, $4  }
0x94: {  	v9 =	vld [tilespmem:s31+$0xC230]  }
0x95: {  	v8 =	vld [tilespmem:s31+$0xC240]  }
0x96: {  	v12 =	vmul.f32 $1.131370830e+01, v6;
	v7 =	vld [tilespmem:s31+$0xC250]  }
0x97: {  	s0 =	sadd.s32 $0x200, s0;
	v11 =	vmul.f32 $1.131370830e+01, v11;
	v6 =	vld [tilespmem:s31+$0xC260]  }
0x98: {  	v5 =	vadd.f32 v5, v12;
	v12 =	vld [tilespmem:s31+$0xC270];
	v10 =	vmul.f32 $1.131370830e+01, v10  }
0x99: {  	v13 =	vld [tilespmem:s31+$0x260];
	v4 =	vadd.f32 v4, v11;
	v9 =	vmul.f32 $1.131370830e+01, v9  }
0x9a: {  	[tilespmem:s31+$0xC200] =	vst v5;
	v3 =	vadd.f32 v3, v10;
	v5 =	vmul.f32 $1.131370830e+01, v8;
	v8 =	vld [tilespmem:s31+$0x270]  }
0x9b: {  	[tilespmem:s31+$0xC210] =	vst v4;
	v2 =	vadd.f32 v2, v9;
	v4 =	vmul.f32 $1.131370830e+01, v7  }
0x9c: {  	[tilespmem:s31+$0xC220] =	vst v3;
	v1 =	vadd.f32 v1, v5;
	v3 =	vmul.f32 $1.131370830e+01, v6  }
0x9d: {  	[tilespmem:s31+$0xC230] =	vst v2;
	v0 =	vadd.f32 v0, v4;
	v2 =	vmul.f32 $1.131370830e+01, v12  }
0x9e: {  	[tilespmem:s31+$0xC240] =	vst v1;
	v1 =	vadd.f32 v13, v3  }
0x9f: {  	[tilespmem:s31+$0xC250] =	vst v0;
	v0 =	vadd.f32 v8, v2  }
0xa0: {  	[tilespmem:s31+$0xC260] =	vst v1  }
0xa1: {  	s0 =	simm.s32 $0x0;
	[tilespmem:s31+$0xC270] =	vst v0  }
0xa2: {  	[hbm4b:s8+s0] =	stream.linear.scatter [tilespmem:s17], [sflag:$0x9], $0x4000, $0x38;
	[tilespmem:$0x14200] =	vst v63  }
0xa3: {  	_ =	swait.ge [sflag:s24], $0x4000  }
0xa4: {  	[sflag:s24] =	ssyncset.done $0x0  }
0xa5: {  	s31 =	simm.s32 $0x0;
	[sflag:s24] =	ssyncadd.s32 $0xFFFFC000  }
0xa6: {  	v5 =	vld [tilespmem:s31+$0x200]  }
0xa7: {  	v4 =	vld [tilespmem:s31+$0x210]  }
0xa8: {  	v3 =	vld [tilespmem:s31+$0x220]  }
0xa9: {  	v2 =	vld [tilespmem:s31+$0x230]  }
0xaa: {  	v1 =	vld [tilespmem:s31+$0x240]  }
0xab: {  	v0 =	vld [tilespmem:s31+$0x250]  }
0xac: {  	v6 =	vld [tilespmem:s31+$0x10200]  }
0xad: {  	v11 =	vld [tilespmem:s31+$0x10210]  }
0xae: {  	v10 =	vld [tilespmem:s31+$0x10220]  }
0xaf: {  	v9 =	vld [tilespmem:s31+$0x10230]  }
0xb0: {  	v8 =	vld [tilespmem:s31+$0x10240]  }
0xb1: {  	v7 =	vld [tilespmem:s31+$0x10250];
	v12 =	vmul.f32 $1.131370830e+01, v6  }
0xb2: {  	s0 =	simm.s32 $0x200;
	v11 =	vmul.f32 $1.131370830e+01, v11;
	v6 =	vld [tilespmem:s31+$0x10260]  }
.LBB2_8:
0xb3: {  	p0 =	sne.s32 s0, $0xFE00;
	v5 =	vadd.f32 v5, v12;
	v10 =	vmul.f32 $1.131370830e+01, v10;
	v12 =	vld [tilespmem:s31+$0x10270]  }
0xb4: {  	v4 =	vadd.f32 v4, v11;
	v9 =	vmul.f32 $1.131370830e+01, v9;
	v11 =	vld [tilespmem:s31+$0x260]  }
0xb5: {  	s2 =	sshra.s32 s0, $0x2;
	[tilespmem:s31+$0x10200] =	vst v5;
	v3 =	vadd.f32 v3, v10;
	v8 =	vmul.f32 $1.131370830e+01, v8;
	v10 =	vld [tilespmem:s31+$0x270]  }
0xb6: {  	v5 =	vld [tilespmem:s2+$0x200];
	[tilespmem:s31+$0x10210] =	vst v4;
	v2 =	vadd.f32 v2, v9;
	v7 =	vmul.f32 $1.131370830e+01, v7  }
0xb7: {  	v4 =	vld [tilespmem:s2+$0x210];
	[tilespmem:s31+$0x10220] =	vst v3;
	v1 =	vadd.f32 v1, v8;
	v6 =	vmul.f32 $1.131370830e+01, v6  }
0xb8: {  	v3 =	vld [tilespmem:s2+$0x220];
	[tilespmem:s31+$0x10230] =	vst v2;
	v0 =	vadd.f32 v0, v7;
	v7 =	vmul.f32 $1.131370830e+01, v12  }
0xb9: {  	v2 =	vld [tilespmem:s2+$0x230];
	[tilespmem:s31+$0x10240] =	vst v1;
	v6 =	vadd.f32 v11, v6  }
0xba: {  	v1 =	vld [tilespmem:s2+$0x240];
	[tilespmem:s31+$0x10250] =	vst v0;
	v7 =	vadd.f32 v10, v7  }
0xbb: {  	v0 =	vld [tilespmem:s2+$0x250];
	[tilespmem:s31+$0x10260] =	vst v6  }
0xbc: {  	v6 =	vld [tilespmem:s2+$0x10200];
	[tilespmem:s31+$0x10270] =	vst v7;
	s31 =	smov.u32 s2  }
0xbd: {  	v11 =	vld [tilespmem:s31+$0x10210]  }
.Ltmp3:
0xbe: {  	v10 =	vld [tilespmem:s31+$0x10220];
	(pc) =	sbr.rel @p0 .LBB2_8-.Ltmp3, $4  }
0xbf: {  	v9 =	vld [tilespmem:s31+$0x10230]  }
0xc0: {  	v8 =	vld [tilespmem:s31+$0x10240]  }
0xc1: {  	v12 =	vmul.f32 $1.131370830e+01, v6;
	v7 =	vld [tilespmem:s31+$0x10250]  }
0xc2: {  	s0 =	sadd.s32 $0x200, s0;
	v11 =	vmul.f32 $1.131370830e+01, v11;
	v6 =	vld [tilespmem:s31+$0x10260]  }
0xc3: {  	v5 =	vadd.f32 v5, v12;
	v56 =	vld [tilespmem:s31+$0x10270];
	v10 =	vmul.f32 $1.131370830e+01, v10  }
0xc4: {  	v13 =	vld [tilespmem:s31+$0x260];
	v4 =	vadd.f32 v4, v11;
	v9 =	vmul.f32 $1.131370830e+01, v9  }
0xc5: {  	v58 =	vld [tilespmem:s31+$0x270];
	[tilespmem:s31+$0x10200] =	vst v5;
	v3 =	vadd.f32 v3, v10;
	v57 =	vmul.f32 $1.131370830e+01, v8  }
0xc6: {  	[tilespmem:s31+$0x10210] =	vst v4;
	v2 =	vadd.f32 v2, v9;
	v59 =	vmul.f32 $1.131370830e+01, v7  }
0xc7: {  	[tilespmem:s31+$0x10220] =	vst v3;
	v1 =	vadd.f32 v1, v57;
	v60 =	vmul.f32 $1.131370830e+01, v6  }
0xc8: {  	[tilespmem:s31+$0x10230] =	vst v2;
	v0 =	vadd.f32 v0, v59;
	v61 =	vmul.f32 $1.131370830e+01, v56  }
0xc9: {  	[tilespmem:s31+$0x10240] =	vst v1;
	v62 =	vadd.f32 v13, v60  }
0xca: {  	[tilespmem:s31+$0x10250] =	vst v0;
	v63 =	vadd.f32 v58, v61  }
0xcb: {  	[tilespmem:s31+$0x10260] =	vst v62  }
0xcc: {  	[tilespmem:s31+$0x10270] =	vst v63  }
0xcd: {  	[hbm4b:s9+s3] =	stream.linear.scatter [tilespmem:s19], [sflag:$0xA], $0x4000, $0x38;
	[tilespmem:$0x14200] =	vst v63  }
0xce: {  	_ =	swait.ge [sflag:s25], $0x4000  }
0xcf: {  	[sflag:s25] =	ssyncset.done $0x0  }
0xd0: {  	[sflag:s25] =	ssyncadd.s32 $0xFFFFC000  }
0xd1: {  	_ =	swait.ge [sflag:s26], $0x4000  }
0xd2: {  	[sflag:s26] =	ssyncset.done $0x0  }
0xd3: {  	s30 =	sadd.s32 $0x1, s30;
	[sflag:s26] =	ssyncadd.s32 $0xFFFFC000  }
0xd4: {  	p0 =	sne.s32 s30, s10;
	_ =	swait.ge [sflag:s28], $0x4000  }
.Ltmp4:
0xd5: {  	[sflag:s28] =	ssyncset.done $0x0;
	(pc) =	sbr.rel @p0 .LBB2_1-.Ltmp4, $4  }
0xd6: {  	[sflag:s28] =	ssyncadd.s32 $0xFFFFC000  }
0xd7: {  	_ =	swait.ge [sflag:s29], $0x4000  }
0xd8: {  	[sflag:s29] =	ssyncset.done $0x0  }
0xd9: {  	[sflag:s29] =	ssyncadd.s32 $0xFFFFC000  }
0xda: {  	_ =	sfence.sel $0x180000  }
0xdb: {  	[bflag:$0x0] =	sbarrier.arrive $0xFFFF  }
0xdc: {  	_ =	strace $0x90000047  }
0xdd: {  	s0 =	stileid.u32;
	[bflag:$0x2] =	sbarrier.arrive $0xFFFF  }
0xde: {  	p0 =	sne.s32 s0, $0x0;
	s0 =	rddreg [dreg:$0x4]  }
0xdf: {  	s0 =	sadd.s32 @!p0 $0x100000, s0  }
0xe0: {  	[sflag:s0] =	ssyncadd.tile.s32 @!p0 $0x1;
	_ =	shalt  }
.Lfunc_end2:
_tile_overlayer_lowered:
.L_overlay_start_2:
0xe1: {  	(tag) =	ssettag $0x2  }
0xe2: {  	s0 =	rddreg [dreg:$0x0];
	s2 =	stileid.u32  }
0xe3: {  	s1 =	rddreg [dreg:$0x1];
	p0 =	sne.s32 s2, $0x0  }
0xe4: {  	s3 =	rddreg [dreg:$0x2];
	[bflag:$0x3] =	sbarrier.arrive $0xFFFF;
	s2 =	simm.s32 @!p0 $0x1C0B  }
0xe5: {  	[timem:s3], [sflag:s2] =	dma.local @!p0 [hbm:s0], s1  }
0xe6: {  	s0 =	simm.s32 @!p0 $0xB  }
0xe7: {  	_ =	swait.ge @!p0 [sflag:s0], s1  }
0xe8: {  	s1 =	ssub.s32 @!p0 $0x0, s1;
	[sflag:s0] =	ssyncset.done @!p0 $0x0  }
0xe9: {  	[sflag:s0] =	ssyncadd.s32 @!p0 s1  }
0xea: {  	[bflag:$0x3] =	sbarrier.arrive $0xFFFF  }
0xeb: {  	_ =	shalt  }

</sc_bundles>
